<compile_context>
chip_gen: v7x
topology: tpu7x:2x2x1
jax: 0.10.2.dev20260603
libtpu: 0.0.44.dev20260713+nightly
codegen_flags: <defaults>
</compile_context>

<pallas_src>
import jax
import jax.numpy as jnp
from jax import lax
from jax.experimental import pallas as pl
from jax.experimental.pallas import tpu as pltpu
from jax.experimental.pallas import tpu_sc as plsc

D = 128
NC = 1
NS = 16
NW = NC * NS
CHUNK = 80
NBUF = 4
UNROLL = 8


def _permute_body(x_hbm, perm_hbm, out_hbm, perm_v, *rest):
    in_bufs = rest[:NBUF]
    out_bufs = rest[NBUF:2 * NBUF]
    in_sems = rest[2 * NBUF:3 * NBUF]
    out_sems = rest[3 * NBUF:4 * NBUF]

    rows = x_hbm.shape[0]
    rows_per_w = rows // NW
    nchunk = rows_per_w // CHUNK
    nround = nchunk // NBUF
    wid = lax.axis_index("s") * NC + lax.axis_index("c")
    base = wid * rows_per_w

    pltpu.sync_copy(perm_hbm, perm_v)
    pvecs = [perm_v[pl.ds(16 * j, 16)] for j in range(D // 16)]

    def compute(in_v, out_v):
        @plsc.parallel_loop(0, CHUNK, unroll=UNROLL)
        def _(r):
            rs = jnp.full((16,), r, jnp.int32)
            for j in range(D // 16):
                v = plsc.load_gather(in_v, [rs, pvecs[j]])
                out_v[r, pl.ds(16 * j, 16)] = v

    def copy_in(c, in_v, si):
        return pltpu.make_async_copy(
            x_hbm.at[pl.ds(base + c * CHUNK, CHUNK)], in_v, si)

    def copy_out(c, out_v, so):
        return pltpu.make_async_copy(
            out_v, out_hbm.at[pl.ds(base + c * CHUNK, CHUNK)], so)

    for k in range(NBUF):
        copy_in(k, in_bufs[k], in_sems[k]).start()

    def loop_body(rd, carry):
        for k in range(NBUF):
            c = rd * NBUF + k
            copy_in(c, in_bufs[k], in_sems[k]).wait()

            @pl.when(rd > 0)
            def _():
                copy_out(c - NBUF, out_bufs[k], out_sems[k]).wait()

            compute(in_bufs[k], out_bufs[k])
            copy_out(c, out_bufs[k], out_sems[k]).start()

            @pl.when(rd < nround - 1)
            def _():
                copy_in(c + NBUF, in_bufs[k], in_sems[k]).start()
        return carry

    lax.fori_loop(0, nround, loop_body, 0)
    for k in range(NBUF):
        copy_out(nchunk - NBUF + k, out_bufs[k], out_sems[k]).wait()


def kernel(x, permutation):
    b, s, d = x.shape
    rows = b * s
    xt = jnp.transpose(x, (1, 0, 2)).reshape(rows, d)
    perm = permutation.astype(jnp.int32)

    mesh = plsc.VectorSubcoreMesh(
        core_axis_name="c", subcore_axis_name="s", num_cores=1)
    run = pl.kernel(
        _permute_body,
        out_type=jax.ShapeDtypeStruct((rows, d), jnp.float32),
        mesh=mesh,
        scratch_types=(
            [pltpu.VMEM((D,), jnp.int32)]
            + [pltpu.VMEM((CHUNK, D), jnp.float32)] * (2 * NBUF)
            + [pltpu.SemaphoreType.DMA] * (2 * NBUF)
        ),
        compiler_params=pltpu.CompilerParams(
            needs_layout_passes=False, use_tc_tiling_on_sc=True),
    )
    out = run(xt, perm)
    return jnp.transpose(out.reshape(s, b, d), (1, 0, 2))

# --- scband reference (transcript-rebuilt; emitter-appended) ---
"""Pipeline reference for scband-permute-7430293422500 (READ-ONLY COPY).

The authoritative reference and input builder live on the scoring server;
editing this copy changes nothing except your own understanding.
"""

import jax, jax.numpy as jnp
import numpy as np


def setup_inputs(seed: int = 0) -> dict:
    key = jax.random.key(seed)
    x = jax.random.normal(key, (4096, 50, 128), dtype=jnp.float32)
    # permutation from init_kwargs: reversed arange over the last axis (size 128)
    permutation = jnp.arange(127, -1, -1, dtype=jnp.int64 if jax.config.jax_enable_x64 else jnp.int32)
    return {"x": x, "permutation": permutation}


def reference(x, permutation):
    # Faithful translation of Permute.__call__: jnp.take along self.axis (= -1)
    return jnp.take(x, permutation, axis=-1)

if __name__ == "__main__":
    import jax
    _d = setup_inputs()
    print(jax.jit(kernel)(*tuple(_d.values())))

</pallas_src>

<mosaic_0001>
#map = affine_map<(d0, d1) -> (0, 0)>
#map1 = affine_map<(d0, d1) -> (0)>
module attributes {stable_mosaic.version = 14 : i64} {
  func.func @_permute_body(%arg0: i32, %arg1: i32, %arg2: memref<204800x128xf32, #tpu.memory_space<hbm>>, %arg3: memref<128xi32, #tpu.memory_space<hbm>>, %arg4: memref<204800x128xf32, #tpu.memory_space<hbm>>, %arg5: memref<128xi32, #tpu.memory_space<vmem>>, %arg6: memref<80x128xf32, #tpu.memory_space<vmem>>, %arg7: memref<80x128xf32, #tpu.memory_space<vmem>>, %arg8: memref<80x128xf32, #tpu.memory_space<vmem>>, %arg9: memref<80x128xf32, #tpu.memory_space<vmem>>, %arg10: memref<80x128xf32, #tpu.memory_space<vmem>>, %arg11: memref<80x128xf32, #tpu.memory_space<vmem>>, %arg12: memref<80x128xf32, #tpu.memory_space<vmem>>, %arg13: memref<80x128xf32, #tpu.memory_space<vmem>>, %arg14: memref<!tpu.dma_semaphore, #tpu.memory_space<semaphore_mem>>, %arg15: memref<!tpu.dma_semaphore, #tpu.memory_space<semaphore_mem>>, %arg16: memref<!tpu.dma_semaphore, #tpu.memory_space<semaphore_mem>>, %arg17: memref<!tpu.dma_semaphore, #tpu.memory_space<semaphore_mem>>, %arg18: memref<!tpu.dma_semaphore, #tpu.memory_space<semaphore_mem>>, %arg19: memref<!tpu.dma_semaphore, #tpu.memory_space<semaphore_mem>>, %arg20: memref<!tpu.dma_semaphore, #tpu.memory_space<semaphore_mem>>, %arg21: memref<!tpu.dma_semaphore, #tpu.memory_space<semaphore_mem>>) attributes {dimension_semantics = [#tpu.dimension_semantics<core_parallel>, #tpu.dimension_semantics<subcore_parallel>], iteration_bounds = array<i64: 1, 16>, scalar_prefetch = 0 : i64, scratch_operands = 17 : i64, tpu.core_type = #tpu.core_type<sc_vector_subcore>, window_params = [{transform_indices = #map}, {transform_indices = #map1}, {transform_indices = #map}]} {
    %mul3A = arith.constant 1 : i32
    %mul3A_0 = arith.muli %arg1, %mul3A : i32
    %add3A = arith.addi %mul3A_0, %arg0 : i32
    %mul3A_1 = arith.constant 12800 : i32
    %mul3A_2 = arith.muli %add3A, %mul3A_1 : i32
    "tpu.region"() ({
      %run_scoped3A = tpu.sem_alloc : memref<!tpu.dma_semaphore, #tpu.memory_space<semaphore_mem>>
      tpu.enqueue_dma source(%arg3 : memref<128xi32, #tpu.memory_space<hbm>>) target(%arg5 : memref<128xi32, #tpu.memory_space<vmem>>) target_semaphore(%run_scoped3A : memref<!tpu.dma_semaphore, #tpu.memory_space<semaphore_mem>>)
      tpu.wait_dma2 semaphore(%run_scoped3A : memref<!tpu.dma_semaphore, #tpu.memory_space<semaphore_mem>>) src(%arg3 : memref<128xi32, #tpu.memory_space<hbm>>) dst(%arg5 : memref<128xi32, #tpu.memory_space<vmem>>)
      tpu.yield
    }) : () -> ()
    %get3A = arith.constant 0 : index
    %get3A_3 = tpu.vector_load %arg5[%get3A] {strides = array<i32>} : memref<128xi32, #tpu.memory_space<vmem>>, vector<16xi32>,
    %get3A_4 = arith.constant 16 : index
    %get3A_5 = tpu.vector_load %arg5[%get3A_4] {strides = array<i32>} : memref<128xi32, #tpu.memory_space<vmem>>, vector<16xi32>,
    %get3A_6 = arith.constant 32 : index
    %get3A_7 = tpu.vector_load %arg5[%get3A_6] {strides = array<i32>} : memref<128xi32, #tpu.memory_space<vmem>>, vector<16xi32>,
    %get3A_8 = arith.constant 48 : index
    %get3A_9 = tpu.vector_load %arg5[%get3A_8] {strides = array<i32>} : memref<128xi32, #tpu.memory_space<vmem>>, vector<16xi32>,
    %get3A_10 = arith.constant 64 : index
    %get3A_11 = tpu.vector_load %arg5[%get3A_10] {strides = array<i32>} : memref<128xi32, #tpu.memory_space<vmem>>, vector<16xi32>,
    %get3A_12 = arith.constant 80 : index
    %get3A_13 = tpu.vector_load %arg5[%get3A_12] {strides = array<i32>} : memref<128xi32, #tpu.memory_space<vmem>>, vector<16xi32>,
    %get3A_14 = arith.constant 96 : index
    %get3A_15 = tpu.vector_load %arg5[%get3A_14] {strides = array<i32>} : memref<128xi32, #tpu.memory_space<vmem>>, vector<16xi32>,
    %get3A_16 = arith.constant 112 : index
    %get3A_17 = tpu.vector_load %arg5[%get3A_16] {strides = array<i32>} : memref<128xi32, #tpu.memory_space<vmem>>, vector<16xi32>,
    %add3A_18 = arith.constant 0 : i32
    %add3A_19 = arith.addi %mul3A_2, %add3A_18 : i32
    %dma_start3A = arith.constant 0 : i32
    %dma_start3A_20 = tpu.memref_slice %arg2[%add3A_19, %dma_start3A] : memref<204800x128xf32, #tpu.memory_space<hbm>> -> memref<80x128xf32, #tpu.memory_space<hbm>>
    %dma_start3A_21 = arith.constant 0 : i32
    %dma_start3A_22 = tpu.memref_slice %arg2[%add3A_19, %dma_start3A_21] : memref<204800x128xf32, #tpu.memory_space<hbm>> -> memref<80x128xf32, #tpu.memory_space<hbm>>
    tpu.enqueue_dma source(%dma_start3A_22 : memref<80x128xf32, #tpu.memory_space<hbm>>) target(%arg6 : memref<80x128xf32, #tpu.memory_space<vmem>>) target_semaphore(%arg14 : memref<!tpu.dma_semaphore, #tpu.memory_space<semaphore_mem>>)
    %add3A_23 = arith.constant 80 : i32
    %add3A_24 = arith.addi %mul3A_2, %add3A_23 : i32
    %dma_start3A_25 = arith.constant 0 : i32
    %dma_start3A_26 = tpu.memref_slice %arg2[%add3A_24, %dma_start3A_25] : memref<204800x128xf32, #tpu.memory_space<hbm>> -> memref<80x128xf32, #tpu.memory_space<hbm>>
    %dma_start3A_27 = arith.constant 0 : i32
    %dma_start3A_28 = tpu.memref_slice %arg2[%add3A_24, %dma_start3A_27] : memref<204800x128xf32, #tpu.memory_space<hbm>> -> memref<80x128xf32, #tpu.memory_space<hbm>>
    tpu.enqueue_dma source(%dma_start3A_28 : memref<80x128xf32, #tpu.memory_space<hbm>>) target(%arg7 : memref<80x128xf32, #tpu.memory_space<vmem>>) target_semaphore(%arg15 : memref<!tpu.dma_semaphore, #tpu.memory_space<semaphore_mem>>)
    %add3A_29 = arith.constant 160 : i32
    %add3A_30 = arith.addi %mul3A_2, %add3A_29 : i32
    %dma_start3A_31 = arith.constant 0 : i32
    %dma_start3A_32 = tpu.memref_slice %arg2[%add3A_30, %dma_start3A_31] : memref<204800x128xf32, #tpu.memory_space<hbm>> -> memref<80x128xf32, #tpu.memory_space<hbm>>
    %dma_start3A_33 = arith.constant 0 : i32
    %dma_start3A_34 = tpu.memref_slice %arg2[%add3A_30, %dma_start3A_33] : memref<204800x128xf32, #tpu.memory_space<hbm>> -> memref<80x128xf32, #tpu.memory_space<hbm>>
    tpu.enqueue_dma source(%dma_start3A_34 : memref<80x128xf32, #tpu.memory_space<hbm>>) target(%arg8 : memref<80x128xf32, #tpu.memory_space<vmem>>) target_semaphore(%arg16 : memref<!tpu.dma_semaphore, #tpu.memory_space<semaphore_mem>>)
    %add3A_35 = arith.constant 240 : i32
    %add3A_36 = arith.addi %mul3A_2, %add3A_35 : i32
    %dma_start3A_37 = arith.constant 0 : i32
    %dma_start3A_38 = tpu.memref_slice %arg2[%add3A_36, %dma_start3A_37] : memref<204800x128xf32, #tpu.memory_space<hbm>> -> memref<80x128xf32, #tpu.memory_space<hbm>>
    %dma_start3A_39 = arith.constant 0 : i32
    %dma_start3A_40 = tpu.memref_slice %arg2[%add3A_36, %dma_start3A_39] : memref<204800x128xf32, #tpu.memory_space<hbm>> -> memref<80x128xf32, #tpu.memory_space<hbm>>
    tpu.enqueue_dma source(%dma_start3A_40 : memref<80x128xf32, #tpu.memory_space<hbm>>) target(%arg9 : memref<80x128xf32, #tpu.memory_space<vmem>>) target_semaphore(%arg17 : memref<!tpu.dma_semaphore, #tpu.memory_space<semaphore_mem>>)
    %scan3A = arith.constant 0 : i32
    %scan3A_41 = arith.constant 0 : i32
    %scan3A_42 = arith.constant 40 : i32
    %scan3A_43 = arith.addi %scan3A_41, %scan3A_42 : i32
    %scan3A_44 = arith.constant 1 : i32
    scf.for %scan3A_69 = %scan3A_41 to %scan3A_43 step %scan3A_44  : i32 {
      %mul3A_70 = arith.constant 4 : i32
      %mul3A_71 = arith.muli %scan3A_69, %mul3A_70 : i32
      %add3A_72 = arith.constant 0 : i32
      %add3A_73 = arith.addi %mul3A_71, %add3A_72 : i32
      %mul3A_74 = arith.constant 80 : i32
      %mul3A_75 = arith.muli %add3A_73, %mul3A_74 : i32
      %add3A_76 = arith.addi %mul3A_2, %mul3A_75 : i32
      %dma_wait3A_77 = arith.constant 0 : i32
      %dma_wait3A_78 = tpu.memref_slice %arg2[%add3A_76, %dma_wait3A_77] : memref<204800x128xf32, #tpu.memory_space<hbm>> -> memref<80x128xf32, #tpu.memory_space<hbm>>
      %dma_wait3A_79 = arith.constant 0 : i32
      %dma_wait3A_80 = tpu.memref_slice %arg2[%add3A_76, %dma_wait3A_79] : memref<204800x128xf32, #tpu.memory_space<hbm>> -> memref<80x128xf32, #tpu.memory_space<hbm>>
      tpu.wait_dma2 semaphore(%arg14 : memref<!tpu.dma_semaphore, #tpu.memory_space<semaphore_mem>>) src(%dma_wait3A_80 : memref<80x128xf32, #tpu.memory_space<hbm>>) dst(%arg6 : memref<80x128xf32, #tpu.memory_space<vmem>>)
      %gt3A = arith.constant 0 : i32
      %gt3A_81 = arith.cmpi sgt, %scan3A_69, %gt3A : i32
      %convert_element_type3A = arith.extui %gt3A_81 : i1 to i32
      %cond3A = arith.constant 0 : i32
      %cond3A_82 = arith.cmpi ne, %convert_element_type3A, %cond3A : i32
      scf.if %cond3A_82 {
        %sub3A = arith.constant 4 : i32
        %sub3A_189 = arith.subi %add3A_73, %sub3A : i32
        %mul3A_190 = arith.constant 80 : i32
        %mul3A_191 = arith.muli %sub3A_189, %mul3A_190 : i32
        %add3A_192 = arith.addi %mul3A_2, %mul3A_191 : i32
        %dma_wait3A_193 = arith.constant 0 : i32
        %dma_wait3A_194 = tpu.memref_slice %arg4[%add3A_192, %dma_wait3A_193] : memref<204800x128xf32, #tpu.memory_space<hbm>> -> memref<80x128xf32, #tpu.memory_space<hbm>>
        %dma_wait3A_195 = arith.constant 0 : i32
        %dma_wait3A_196 = tpu.memref_slice %arg4[%add3A_192, %dma_wait3A_195] : memref<204800x128xf32, #tpu.memory_space<hbm>> -> memref<80x128xf32, #tpu.memory_space<hbm>>
        tpu.wait_dma2 semaphore(%arg18 : memref<!tpu.dma_semaphore, #tpu.memory_space<semaphore_mem>>) src(%arg10 : memref<80x128xf32, #tpu.memory_space<vmem>>) dst(%dma_wait3A_196 : memref<80x128xf32, #tpu.memory_space<hbm>>)
      } else {
      }
      %parallel_loop3A = arith.constant 0 : i32
      %parallel_loop3A_83 = arith.constant 80 : i32
      %parallel_loop3A_84 = arith.constant 1 : i32
      scf.for %parallel_loop3A_189 = %parallel_loop3A to %parallel_loop3A_83 step %parallel_loop3A_84  : i32 {
        %parallel_loop3A_190 = vector.broadcast %parallel_loop3A_189 : i32 to vector<16xi32>
        %parallel_loop3A_191 = tpu.vector_load_idx %arg6[%parallel_loop3A_190, %get3A_3] : memref<80x128xf32, #tpu.memory_space<vmem>>[vector<16xi32>, vector<16xi32>], vector<16xf32>,
        %parallel_loop3A_192 = arith.index_cast %parallel_loop3A_189 : i32 to index
        %parallel_loop3A_193 = arith.constant 0 : index
        %parallel_loop3A_194 = tpu.vector_load %arg10[%parallel_loop3A_192, %parallel_loop3A_193] {strides = array<i32>} : memref<80x128xf32, #tpu.memory_space<vmem>>, vector<16xf32>,
        tpu.vector_store %arg10[%parallel_loop3A_192, %parallel_loop3A_193], %parallel_loop3A_191 {strides = array<i32>} : memref<80x128xf32, #tpu.memory_space<vmem>>, vector<16xf32>,
        %parallel_loop3A_195 = tpu.vector_load_idx %arg6[%parallel_loop3A_190, %get3A_5] : memref<80x128xf32, #tpu.memory_space<vmem>>[vector<16xi32>, vector<16xi32>], vector<16xf32>,
        %parallel_loop3A_196 = arith.index_cast %parallel_loop3A_189 : i32 to index
        %parallel_loop3A_197 = arith.constant 16 : index
        %parallel_loop3A_198 = tpu.vector_load %arg10[%parallel_loop3A_196, %parallel_loop3A_197] {strides = array<i32>} : memref<80x128xf32, #tpu.memory_space<vmem>>, vector<16xf32>,
        tpu.vector_store %arg10[%parallel_loop3A_196, %parallel_loop3A_197], %parallel_loop3A_195 {strides = array<i32>} : memref<80x128xf32, #tpu.memory_space<vmem>>, vector<16xf32>,
        %parallel_loop3A_199 = tpu.vector_load_idx %arg6[%parallel_loop3A_190, %get3A_7] : memref<80x128xf32, #tpu.memory_space<vmem>>[vector<16xi32>, vector<16xi32>], vector<16xf32>,
        %parallel_loop3A_200 = arith.index_cast %parallel_loop3A_189 : i32 to index
        %parallel_loop3A_201 = arith.constant 32 : index
        %parallel_loop3A_202 = tpu.vector_load %arg10[%parallel_loop3A_200, %parallel_loop3A_201] {strides = array<i32>} : memref<80x128xf32, #tpu.memory_space<vmem>>, vector<16xf32>,
        tpu.vector_store %arg10[%parallel_loop3A_200, %parallel_loop3A_201], %parallel_loop3A_199 {strides = array<i32>} : memref<80x128xf32, #tpu.memory_space<vmem>>, vector<16xf32>,
        %parallel_loop3A_203 = tpu.vector_load_idx %arg6[%parallel_loop3A_190, %get3A_9] : memref<80x128xf32, #tpu.memory_space<vmem>>[vector<16xi32>, vector<16xi32>], vector<16xf32>,
        %parallel_loop3A_204 = arith.index_cast %parallel_loop3A_189 : i32 to index
        %parallel_loop3A_205 = arith.constant 48 : index
        %parallel_loop3A_206 = tpu.vector_load %arg10[%parallel_loop3A_204, %parallel_loop3A_205] {strides = array<i32>} : memref<80x128xf32, #tpu.memory_space<vmem>>, vector<16xf32>,
        tpu.vector_store %arg10[%parallel_loop3A_204, %parallel_loop3A_205], %parallel_loop3A_203 {strides = array<i32>} : memref<80x128xf32, #tpu.memory_space<vmem>>, vector<16xf32>,
        %parallel_loop3A_207 = tpu.vector_load_idx %arg6[%parallel_loop3A_190, %get3A_11] : memref<80x128xf32, #tpu.memory_space<vmem>>[vector<16xi32>, vector<16xi32>], vector<16xf32>,
        %parallel_loop3A_208 = arith.index_cast %parallel_loop3A_189 : i32 to index
        %parallel_loop3A_209 = arith.constant 64 : index
        %parallel_loop3A_210 = tpu.vector_load %arg10[%parallel_loop3A_208, %parallel_loop3A_209] {strides = array<i32>} : memref<80x128xf32, #tpu.memory_space<vmem>>, vector<16xf32>,
        tpu.vector_store %arg10[%parallel_loop3A_208, %parallel_loop3A_209], %parallel_loop3A_207 {strides = array<i32>} : memref<80x128xf32, #tpu.memory_space<vmem>>, vector<16xf32>,
        %parallel_loop3A_211 = tpu.vector_load_idx %arg6[%parallel_loop3A_190, %get3A_13] : memref<80x128xf32, #tpu.memory_space<vmem>>[vector<16xi32>, vector<16xi32>], vector<16xf32>,
        %parallel_loop3A_212 = arith.index_cast %parallel_loop3A_189 : i32 to index
        %parallel_loop3A_213 = arith.constant 80 : index
        %parallel_loop3A_214 = tpu.vector_load %arg10[%parallel_loop3A_212, %parallel_loop3A_213] {strides = array<i32>} : memref<80x128xf32, #tpu.memory_space<vmem>>, vector<16xf32>,
        tpu.vector_store %arg10[%parallel_loop3A_212, %parallel_loop3A_213], %parallel_loop3A_211 {strides = array<i32>} : memref<80x128xf32, #tpu.memory_space<vmem>>, vector<16xf32>,
        %parallel_loop3A_215 = tpu.vector_load_idx %arg6[%parallel_loop3A_190, %get3A_15] : memref<80x128xf32, #tpu.memory_space<vmem>>[vector<16xi32>, vector<16xi32>], vector<16xf32>,
        %parallel_loop3A_216 = arith.index_cast %parallel_loop3A_189 : i32 to index
        %parallel_loop3A_217 = arith.constant 96 : index
        %parallel_loop3A_218 = tpu.vector_load %arg10[%parallel_loop3A_216, %parallel_loop3A_217] {strides = array<i32>} : memref<80x128xf32, #tpu.memory_space<vmem>>, vector<16xf32>,
        tpu.vector_store %arg10[%parallel_loop3A_216, %parallel_loop3A_217], %parallel_loop3A_215 {strides = array<i32>} : memref<80x128xf32, #tpu.memory_space<vmem>>, vector<16xf32>,
        %parallel_loop3A_219 = tpu.vector_load_idx %arg6[%parallel_loop3A_190, %get3A_17] : memref<80x128xf32, #tpu.memory_space<vmem>>[vector<16xi32>, vector<16xi32>], vector<16xf32>,
        %parallel_loop3A_220 = arith.index_cast %parallel_loop3A_189 : i32 to index
        %parallel_loop3A_221 = arith.constant 112 : index
        %parallel_loop3A_222 = tpu.vector_load %arg10[%parallel_loop3A_220, %parallel_loop3A_221] {strides = array<i32>} : memref<80x128xf32, #tpu.memory_space<vmem>>, vector<16xf32>,
        tpu.vector_store %arg10[%parallel_loop3A_220, %parallel_loop3A_221], %parallel_loop3A_219 {strides = array<i32>} : memref<80x128xf32, #tpu.memory_space<vmem>>, vector<16xf32>,
      } {sc.loop_unroll_factor = 8 : i64, sc.parallel_access}
      %mul3A_85 = arith.constant 80 : i32
      %mul3A_86 = arith.muli %add3A_73, %mul3A_85 : i32
      %add3A_87 = arith.addi %mul3A_2, %mul3A_86 : i32
      %dma_start3A_88 = arith.constant 0 : i32
      %dma_start3A_89 = tpu.memref_slice %arg4[%add3A_87, %dma_start3A_88] : memref<204800x128xf32, #tpu.memory_space<hbm>> -> memref<80x128xf32, #tpu.memory_space<hbm>>
      %dma_start3A_90 = arith.constant 0 : i32
      %dma_start3A_91 = tpu.memref_slice %arg4[%add3A_87, %dma_start3A_90] : memref<204800x128xf32, #tpu.memory_space<hbm>> -> memref<80x128xf32, #tpu.memory_space<hbm>>
      tpu.enqueue_dma source(%arg10 : memref<80x128xf32, #tpu.memory_space<vmem>>) target(%dma_start3A_91 : memref<80x128xf32, #tpu.memory_space<hbm>>) target_semaphore(%arg18 : memref<!tpu.dma_semaphore, #tpu.memory_space<semaphore_mem>>)
      %lt3A = arith.constant 39 : i32
      %lt3A_92 = arith.cmpi slt, %scan3A_69, %lt3A : i32
      %convert_element_type3A_93 = arith.extui %lt3A_92 : i1 to i32
      %cond3A_94 = arith.constant 0 : i32
      %cond3A_95 = arith.cmpi ne, %convert_element_type3A_93, %cond3A_94 : i32
      scf.if %cond3A_95 {
        %add3A_189 = arith.constant 4 : i32
        %add3A_190 = arith.addi %add3A_73, %add3A_189 : i32
        %mul3A_191 = arith.constant 80 : i32
        %mul3A_192 = arith.muli %add3A_190, %mul3A_191 : i32
        %add3A_193 = arith.addi %mul3A_2, %mul3A_192 : i32
        %dma_start3A_194 = arith.constant 0 : i32
        %dma_start3A_195 = tpu.memref_slice %arg2[%add3A_193, %dma_start3A_194] : memref<204800x128xf32, #tpu.memory_space<hbm>> -> memref<80x128xf32, #tpu.memory_space<hbm>>
        %dma_start3A_196 = arith.constant 0 : i32
        %dma_start3A_197 = tpu.memref_slice %arg2[%add3A_193, %dma_start3A_196] : memref<204800x128xf32, #tpu.memory_space<hbm>> -> memref<80x128xf32, #tpu.memory_space<hbm>>
        tpu.enqueue_dma source(%dma_start3A_197 : memref<80x128xf32, #tpu.memory_space<hbm>>) target(%arg6 : memref<80x128xf32, #tpu.memory_space<vmem>>) target_semaphore(%arg14 : memref<!tpu.dma_semaphore, #tpu.memory_space<semaphore_mem>>)
      } else {
      }
      %mul3A_96 = arith.constant 4 : i32
      %mul3A_97 = arith.muli %scan3A_69, %mul3A_96 : i32
      %add3A_98 = arith.constant 1 : i32
      %add3A_99 = arith.addi %mul3A_97, %add3A_98 : i32
      %mul3A_100 = arith.constant 80 : i32
      %mul3A_101 = arith.muli %add3A_99, %mul3A_100 : i32
      %add3A_102 = arith.addi %mul3A_2, %mul3A_101 : i32
      %dma_wait3A_103 = arith.constant 0 : i32
      %dma_wait3A_104 = tpu.memref_slice %arg2[%add3A_102, %dma_wait3A_103] : memref<204800x128xf32, #tpu.memory_space<hbm>> -> memref<80x128xf32, #tpu.memory_space<hbm>>
      %dma_wait3A_105 = arith.constant 0 : i32
      %dma_wait3A_106 = tpu.memref_slice %arg2[%add3A_102, %dma_wait3A_105] : memref<204800x128xf32, #tpu.memory_space<hbm>> -> memref<80x128xf32, #tpu.memory_space<hbm>>
      tpu.wait_dma2 semaphore(%arg15 : memref<!tpu.dma_semaphore, #tpu.memory_space<semaphore_mem>>) src(%dma_wait3A_106 : memref<80x128xf32, #tpu.memory_space<hbm>>) dst(%arg7 : memref<80x128xf32, #tpu.memory_space<vmem>>)
      %gt3A_107 = arith.constant 0 : i32
      %gt3A_108 = arith.cmpi sgt, %scan3A_69, %gt3A_107 : i32
      %convert_element_type3A_109 = arith.extui %gt3A_108 : i1 to i32
      %cond3A_110 = arith.constant 0 : i32
      %cond3A_111 = arith.cmpi ne, %convert_element_type3A_109, %cond3A_110 : i32
      scf.if %cond3A_111 {
        %sub3A = arith.constant 4 : i32
        %sub3A_189 = arith.subi %add3A_99, %sub3A : i32
        %mul3A_190 = arith.constant 80 : i32
        %mul3A_191 = arith.muli %sub3A_189, %mul3A_190 : i32
        %add3A_192 = arith.addi %mul3A_2, %mul3A_191 : i32
        %dma_wait3A_193 = arith.constant 0 : i32
        %dma_wait3A_194 = tpu.memref_slice %arg4[%add3A_192, %dma_wait3A_193] : memref<204800x128xf32, #tpu.memory_space<hbm>> -> memref<80x128xf32, #tpu.memory_space<hbm>>
        %dma_wait3A_195 = arith.constant 0 : i32
        %dma_wait3A_196 = tpu.memref_slice %arg4[%add3A_192, %dma_wait3A_195] : memref<204800x128xf32, #tpu.memory_space<hbm>> -> memref<80x128xf32, #tpu.memory_space<hbm>>
        tpu.wait_dma2 semaphore(%arg19 : memref<!tpu.dma_semaphore, #tpu.memory_space<semaphore_mem>>) src(%arg11 : memref<80x128xf32, #tpu.memory_space<vmem>>) dst(%dma_wait3A_196 : memref<80x128xf32, #tpu.memory_space<hbm>>)
      } else {
      }
      %parallel_loop3A_112 = arith.constant 0 : i32
      %parallel_loop3A_113 = arith.constant 80 : i32
      %parallel_loop3A_114 = arith.constant 1 : i32
      scf.for %parallel_loop3A_189 = %parallel_loop3A_112 to %parallel_loop3A_113 step %parallel_loop3A_114  : i32 {
        %parallel_loop3A_190 = vector.broadcast %parallel_loop3A_189 : i32 to vector<16xi32>
        %parallel_loop3A_191 = tpu.vector_load_idx %arg7[%parallel_loop3A_190, %get3A_3] : memref<80x128xf32, #tpu.memory_space<vmem>>[vector<16xi32>, vector<16xi32>], vector<16xf32>,
        %parallel_loop3A_192 = arith.index_cast %parallel_loop3A_189 : i32 to index
        %parallel_loop3A_193 = arith.constant 0 : index
        %parallel_loop3A_194 = tpu.vector_load %arg11[%parallel_loop3A_192, %parallel_loop3A_193] {strides = array<i32>} : memref<80x128xf32, #tpu.memory_space<vmem>>, vector<16xf32>,
        tpu.vector_store %arg11[%parallel_loop3A_192, %parallel_loop3A_193], %parallel_loop3A_191 {strides = array<i32>} : memref<80x128xf32, #tpu.memory_space<vmem>>, vector<16xf32>,
        %parallel_loop3A_195 = tpu.vector_load_idx %arg7[%parallel_loop3A_190, %get3A_5] : memref<80x128xf32, #tpu.memory_space<vmem>>[vector<16xi32>, vector<16xi32>], vector<16xf32>,
        %parallel_loop3A_196 = arith.index_cast %parallel_loop3A_189 : i32 to index
        %parallel_loop3A_197 = arith.constant 16 : index
        %parallel_loop3A_198 = tpu.vector_load %arg11[%parallel_loop3A_196, %parallel_loop3A_197] {strides = array<i32>} : memref<80x128xf32, #tpu.memory_space<vmem>>, vector<16xf32>,
        tpu.vector_store %arg11[%parallel_loop3A_196, %parallel_loop3A_197], %parallel_loop3A_195 {strides = array<i32>} : memref<80x128xf32, #tpu.memory_space<vmem>>, vector<16xf32>,
        %parallel_loop3A_199 = tpu.vector_load_idx %arg7[%parallel_loop3A_190, %get3A_7] : memref<80x128xf32, #tpu.memory_space<vmem>>[vector<16xi32>, vector<16xi32>], vector<16xf32>,
        %parallel_loop3A_200 = arith.index_cast %parallel_loop3A_189 : i32 to index
        %parallel_loop3A_201 = arith.constant 32 : index
        %parallel_loop3A_202 = tpu.vector_load %arg11[%parallel_loop3A_200, %parallel_loop3A_201] {strides = array<i32>} : memref<80x128xf32, #tpu.memory_space<vmem>>, vector<16xf32>,
        tpu.vector_store %arg11[%parallel_loop3A_200, %parallel_loop3A_201], %parallel_loop3A_199 {strides = array<i32>} : memref<80x128xf32, #tpu.memory_space<vmem>>, vector<16xf32>,
        %parallel_loop3A_203 = tpu.vector_load_idx %arg7[%parallel_loop3A_190, %get3A_9] : memref<80x128xf32, #tpu.memory_space<vmem>>[vector<16xi32>, vector<16xi32>], vector<16xf32>,
        %parallel_loop3A_204 = arith.index_cast %parallel_loop3A_189 : i32 to index
        %parallel_loop3A_205 = arith.constant 48 : index
        %parallel_loop3A_206 = tpu.vector_load %arg11[%parallel_loop3A_204, %parallel_loop3A_205] {strides = array<i32>} : memref<80x128xf32, #tpu.memory_space<vmem>>, vector<16xf32>,
        tpu.vector_store %arg11[%parallel_loop3A_204, %parallel_loop3A_205], %parallel_loop3A_203 {strides = array<i32>} : memref<80x128xf32, #tpu.memory_space<vmem>>, vector<16xf32>,
        %parallel_loop3A_207 = tpu.vector_load_idx %arg7[%parallel_loop3A_190, %get3A_11] : memref<80x128xf32, #tpu.memory_space<vmem>>[vector<16xi32>, vector<16xi32>], vector<16xf32>,
        %parallel_loop3A_208 = arith.index_cast %parallel_loop3A_189 : i32 to index
        %parallel_loop3A_209 = arith.constant 64 : index
        %parallel_loop3A_210 = tpu.vector_load %arg11[%parallel_loop3A_208, %parallel_loop3A_209] {strides = array<i32>} : memref<80x128xf32, #tpu.memory_space<vmem>>, vector<16xf32>,
        tpu.vector_store %arg11[%parallel_loop3A_208, %parallel_loop3A_209], %parallel_loop3A_207 {strides = array<i32>} : memref<80x128xf32, #tpu.memory_space<vmem>>, vector<16xf32>,
        %parallel_loop3A_211 = tpu.vector_load_idx %arg7[%parallel_loop3A_190, %get3A_13] : memref<80x128xf32, #tpu.memory_space<vmem>>[vector<16xi32>, vector<16xi32>], vector<16xf32>,
        %parallel_loop3A_212 = arith.index_cast %parallel_loop3A_189 : i32 to index
        %parallel_loop3A_213 = arith.constant 80 : index
        %parallel_loop3A_214 = tpu.vector_load %arg11[%parallel_loop3A_212, %parallel_loop3A_213] {strides = array<i32>} : memref<80x128xf32, #tpu.memory_space<vmem>>, vector<16xf32>,
        tpu.vector_store %arg11[%parallel_loop3A_212, %parallel_loop3A_213], %parallel_loop3A_211 {strides = array<i32>} : memref<80x128xf32, #tpu.memory_space<vmem>>, vector<16xf32>,
        %parallel_loop3A_215 = tpu.vector_load_idx %arg7[%parallel_loop3A_190, %get3A_15] : memref<80x128xf32, #tpu.memory_space<vmem>>[vector<16xi32>, vector<16xi32>], vector<16xf32>,
        %parallel_loop3A_216 = arith.index_cast %parallel_loop3A_189 : i32 to index
        %parallel_loop3A_217 = arith.constant 96 : index
        %parallel_loop3A_218 = tpu.vector_load %arg11[%parallel_loop3A_216, %parallel_loop3A_217] {strides = array<i32>} : memref<80x128xf32, #tpu.memory_space<vmem>>, vector<16xf32>,
        tpu.vector_store %arg11[%parallel_loop3A_216, %parallel_loop3A_217], %parallel_loop3A_215 {strides = array<i32>} : memref<80x128xf32, #tpu.memory_space<vmem>>, vector<16xf32>,
        %parallel_loop3A_219 = tpu.vector_load_idx %arg7[%parallel_loop3A_190, %get3A_17] : memref<80x128xf32, #tpu.memory_space<vmem>>[vector<16xi32>, vector<16xi32>], vector<16xf32>,
        %parallel_loop3A_220 = arith.index_cast %parallel_loop3A_189 : i32 to index
        %parallel_loop3A_221 = arith.constant 112 : index
        %parallel_loop3A_222 = tpu.vector_load %arg11[%parallel_loop3A_220, %parallel_loop3A_221] {strides = array<i32>} : memref<80x128xf32, #tpu.memory_space<vmem>>, vector<16xf32>,
        tpu.vector_store %arg11[%parallel_loop3A_220, %parallel_loop3A_221], %parallel_loop3A_219 {strides = array<i32>} : memref<80x128xf32, #tpu.memory_space<vmem>>, vector<16xf32>,
      } {sc.loop_unroll_factor = 8 : i64, sc.parallel_access}
      %mul3A_115 = arith.constant 80 : i32
      %mul3A_116 = arith.muli %add3A_99, %mul3A_115 : i32
      %add3A_117 = arith.addi %mul3A_2, %mul3A_116 : i32
      %dma_start3A_118 = arith.constant 0 : i32
      %dma_start3A_119 = tpu.memref_slice %arg4[%add3A_117, %dma_start3A_118] : memref<204800x128xf32, #tpu.memory_space<hbm>> -> memref<80x128xf32, #tpu.memory_space<hbm>>
      %dma_start3A_120 = arith.constant 0 : i32
      %dma_start3A_121 = tpu.memref_slice %arg4[%add3A_117, %dma_start3A_120] : memref<204800x128xf32, #tpu.memory_space<hbm>> -> memref<80x128xf32, #tpu.memory_space<hbm>>
      tpu.enqueue_dma source(%arg11 : memref<80x128xf32, #tpu.memory_space<vmem>>) target(%dma_start3A_121 : memref<80x128xf32, #tpu.memory_space<hbm>>) target_semaphore(%arg19 : memref<!tpu.dma_semaphore, #tpu.memory_space<semaphore_mem>>)
      %lt3A_122 = arith.constant 39 : i32
      %lt3A_123 = arith.cmpi slt, %scan3A_69, %lt3A_122 : i32
      %convert_element_type3A_124 = arith.extui %lt3A_123 : i1 to i32
      %cond3A_125 = arith.constant 0 : i32
      %cond3A_126 = arith.cmpi ne, %convert_element_type3A_124, %cond3A_125 : i32
      scf.if %cond3A_126 {
        %add3A_189 = arith.constant 4 : i32
        %add3A_190 = arith.addi %add3A_99, %add3A_189 : i32
        %mul3A_191 = arith.constant 80 : i32
        %mul3A_192 = arith.muli %add3A_190, %mul3A_191 : i32
        %add3A_193 = arith.addi %mul3A_2, %mul3A_192 : i32
        %dma_start3A_194 = arith.constant 0 : i32
        %dma_start3A_195 = tpu.memref_slice %arg2[%add3A_193, %dma_start3A_194] : memref<204800x128xf32, #tpu.memory_space<hbm>> -> memref<80x128xf32, #tpu.memory_space<hbm>>
        %dma_start3A_196 = arith.constant 0 : i32
        %dma_start3A_197 = tpu.memref_slice %arg2[%add3A_193, %dma_start3A_196] : memref<204800x128xf32, #tpu.memory_space<hbm>> -> memref<80x128xf32, #tpu.memory_space<hbm>>
        tpu.enqueue_dma source(%dma_start3A_197 : memref<80x128xf32, #tpu.memory_space<hbm>>) target(%arg7 : memref<80x128xf32, #tpu.memory_space<vmem>>) target_semaphore(%arg15 : memref<!tpu.dma_semaphore, #tpu.memory_space<semaphore_mem>>)
      } else {
      }
      %mul3A_127 = arith.constant 4 : i32
      %mul3A_128 = arith.muli %scan3A_69, %mul3A_127 : i32
      %add3A_129 = arith.constant 2 : i32
      %add3A_130 = arith.addi %mul3A_128, %add3A_129 : i32
      %mul3A_131 = arith.constant 80 : i32
      %mul3A_132 = arith.muli %add3A_130, %mul3A_131 : i32
      %add3A_133 = arith.addi %mul3A_2, %mul3A_132 : i32
      %dma_wait3A_134 = arith.constant 0 : i32
      %dma_wait3A_135 = tpu.memref_slice %arg2[%add3A_133, %dma_wait3A_134] : memref<204800x128xf32, #tpu.memory_space<hbm>> -> memref<80x128xf32, #tpu.memory_space<hbm>>
      %dma_wait3A_136 = arith.constant 0 : i32
      %dma_wait3A_137 = tpu.memref_slice %arg2[%add3A_133, %dma_wait3A_136] : memref<204800x128xf32, #tpu.memory_space<hbm>> -> memref<80x128xf32, #tpu.memory_space<hbm>>
      tpu.wait_dma2 semaphore(%arg16 : memref<!tpu.dma_semaphore, #tpu.memory_space<semaphore_mem>>) src(%dma_wait3A_137 : memref<80x128xf32, #tpu.memory_space<hbm>>) dst(%arg8 : memref<80x128xf32, #tpu.memory_space<vmem>>)
      %gt3A_138 = arith.constant 0 : i32
      %gt3A_139 = arith.cmpi sgt, %scan3A_69, %gt3A_138 : i32
      %convert_element_type3A_140 = arith.extui %gt3A_139 : i1 to i32
      %cond3A_141 = arith.constant 0 : i32
      %cond3A_142 = arith.cmpi ne, %convert_element_type3A_140, %cond3A_141 : i32
      scf.if %cond3A_142 {
        %sub3A = arith.constant 4 : i32
        %sub3A_189 = arith.subi %add3A_130, %sub3A : i32
        %mul3A_190 = arith.constant 80 : i32
        %mul3A_191 = arith.muli %sub3A_189, %mul3A_190 : i32
        %add3A_192 = arith.addi %mul3A_2, %mul3A_191 : i32
        %dma_wait3A_193 = arith.constant 0 : i32
        %dma_wait3A_194 = tpu.memref_slice %arg4[%add3A_192, %dma_wait3A_193] : memref<204800x128xf32, #tpu.memory_space<hbm>> -> memref<80x128xf32, #tpu.memory_space<hbm>>
        %dma_wait3A_195 = arith.constant 0 : i32
        %dma_wait3A_196 = tpu.memref_slice %arg4[%add3A_192, %dma_wait3A_195] : memref<204800x128xf32, #tpu.memory_space<hbm>> -> memref<80x128xf32, #tpu.memory_space<hbm>>
        tpu.wait_dma2 semaphore(%arg20 : memref<!tpu.dma_semaphore, #tpu.memory_space<semaphore_mem>>) src(%arg12 : memref<80x128xf32, #tpu.memory_space<vmem>>) dst(%dma_wait3A_196 : memref<80x128xf32, #tpu.memory_space<hbm>>)
      } else {
      }
      %parallel_loop3A_143 = arith.constant 0 : i32
      %parallel_loop3A_144 = arith.constant 80 : i32
      %parallel_loop3A_145 = arith.constant 1 : i32
      scf.for %parallel_loop3A_189 = %parallel_loop3A_143 to %parallel_loop3A_144 step %parallel_loop3A_145  : i32 {
        %parallel_loop3A_190 = vector.broadcast %parallel_loop3A_189 : i32 to vector<16xi32>
        %parallel_loop3A_191 = tpu.vector_load_idx %arg8[%parallel_loop3A_190, %get3A_3] : memref<80x128xf32, #tpu.memory_space<vmem>>[vector<16xi32>, vector<16xi32>], vector<16xf32>,
        %parallel_loop3A_192 = arith.index_cast %parallel_loop3A_189 : i32 to index
        %parallel_loop3A_193 = arith.constant 0 : index
        %parallel_loop3A_194 = tpu.vector_load %arg12[%parallel_loop3A_192, %parallel_loop3A_193] {strides = array<i32>} : memref<80x128xf32, #tpu.memory_space<vmem>>, vector<16xf32>,
        tpu.vector_store %arg12[%parallel_loop3A_192, %parallel_loop3A_193], %parallel_loop3A_191 {strides = array<i32>} : memref<80x128xf32, #tpu.memory_space<vmem>>, vector<16xf32>,
        %parallel_loop3A_195 = tpu.vector_load_idx %arg8[%parallel_loop3A_190, %get3A_5] : memref<80x128xf32, #tpu.memory_space<vmem>>[vector<16xi32>, vector<16xi32>], vector<16xf32>,
        %parallel_loop3A_196 = arith.index_cast %parallel_loop3A_189 : i32 to index
        %parallel_loop3A_197 = arith.constant 16 : index
        %parallel_loop3A_198 = tpu.vector_load %arg12[%parallel_loop3A_196, %parallel_loop3A_197] {strides = array<i32>} : memref<80x128xf32, #tpu.memory_space<vmem>>, vector<16xf32>,
        tpu.vector_store %arg12[%parallel_loop3A_196, %parallel_loop3A_197], %parallel_loop3A_195 {strides = array<i32>} : memref<80x128xf32, #tpu.memory_space<vmem>>, vector<16xf32>,
        %parallel_loop3A_199 = tpu.vector_load_idx %arg8[%parallel_loop3A_190, %get3A_7] : memref<80x128xf32, #tpu.memory_space<vmem>>[vector<16xi32>, vector<16xi32>], vector<16xf32>,
        %parallel_loop3A_200 = arith.index_cast %parallel_loop3A_189 : i32 to index
        %parallel_loop3A_201 = arith.constant 32 : index
        %parallel_loop3A_202 = tpu.vector_load %arg12[%parallel_loop3A_200, %parallel_loop3A_201] {strides = array<i32>} : memref<80x128xf32, #tpu.memory_space<vmem>>, vector<16xf32>,
        tpu.vector_store %arg12[%parallel_loop3A_200, %parallel_loop3A_201], %parallel_loop3A_199 {strides = array<i32>} : memref<80x128xf32, #tpu.memory_space<vmem>>, vector<16xf32>,
        %parallel_loop3A_203 = tpu.vector_load_idx %arg8[%parallel_loop3A_190, %get3A_9] : memref<80x128xf32, #tpu.memory_space<vmem>>[vector<16xi32>, vector<16xi32>], vector<16xf32>,
        %parallel_loop3A_204 = arith.index_cast %parallel_loop3A_189 : i32 to index
        %parallel_loop3A_205 = arith.constant 48 : index
        %parallel_loop3A_206 = tpu.vector_load %arg12[%parallel_loop3A_204, %parallel_loop3A_205] {strides = array<i32>} : memref<80x128xf32, #tpu.memory_space<vmem>>, vector<16xf32>,
        tpu.vector_store %arg12[%parallel_loop3A_204, %parallel_loop3A_205], %parallel_loop3A_203 {strides = array<i32>} : memref<80x128xf32, #tpu.memory_space<vmem>>, vector<16xf32>,
        %parallel_loop3A_207 = tpu.vector_load_idx %arg8[%parallel_loop3A_190, %get3A_11] : memref<80x128xf32, #tpu.memory_space<vmem>>[vector<16xi32>, vector<16xi32>], vector<16xf32>,
        %parallel_loop3A_208 = arith.index_cast %parallel_loop3A_189 : i32 to index
        %parallel_loop3A_209 = arith.constant 64 : index
        %parallel_loop3A_210 = tpu.vector_load %arg12[%parallel_loop3A_208, %parallel_loop3A_209] {strides = array<i32>} : memref<80x128xf32, #tpu.memory_space<vmem>>, vector<16xf32>,
        tpu.vector_store %arg12[%parallel_loop3A_208, %parallel_loop3A_209], %parallel_loop3A_207 {strides = array<i32>} : memref<80x128xf32, #tpu.memory_space<vmem>>, vector<16xf32>,
        %parallel_loop3A_211 = tpu.vector_load_idx %arg8[%parallel_loop3A_190, %get3A_13] : memref<80x128xf32, #tpu.memory_space<vmem>>[vector<16xi32>, vector<16xi32>], vector<16xf32>,
        %parallel_loop3A_212 = arith.index_cast %parallel_loop3A_189 : i32 to index
        %parallel_loop3A_213 = arith.constant 80 : index
        %parallel_loop3A_214 = tpu.vector_load %arg12[%parallel_loop3A_212, %parallel_loop3A_213] {strides = array<i32>} : memref<80x128xf32, #tpu.memory_space<vmem>>, vector<16xf32>,
        tpu.vector_store %arg12[%parallel_loop3A_212, %parallel_loop3A_213], %parallel_loop3A_211 {strides = array<i32>} : memref<80x128xf32, #tpu.memory_space<vmem>>, vector<16xf32>,
        %parallel_loop3A_215 = tpu.vector_load_idx %arg8[%parallel_loop3A_190, %get3A_15] : memref<80x128xf32, #tpu.memory_space<vmem>>[vector<16xi32>, vector<16xi32>], vector<16xf32>,
        %parallel_loop3A_216 = arith.index_cast %parallel_loop3A_189 : i32 to index
        %parallel_loop3A_217 = arith.constant 96 : index
        %parallel_loop3A_218 = tpu.vector_load %arg12[%parallel_loop3A_216, %parallel_loop3A_217] {strides = array<i32>} : memref<80x128xf32, #tpu.memory_space<vmem>>, vector<16xf32>,
        tpu.vector_store %arg12[%parallel_loop3A_216, %parallel_loop3A_217], %parallel_loop3A_215 {strides = array<i32>} : memref<80x128xf32, #tpu.memory_space<vmem>>, vector<16xf32>,
        %parallel_loop3A_219 = tpu.vector_load_idx %arg8[%parallel_loop3A_190, %get3A_17] : memref<80x128xf32, #tpu.memory_space<vmem>>[vector<16xi32>, vector<16xi32>], vector<16xf32>,
        %parallel_loop3A_220 = arith.index_cast %parallel_loop3A_189 : i32 to index
        %parallel_loop3A_221 = arith.constant 112 : index
        %parallel_loop3A_222 = tpu.vector_load %arg12[%parallel_loop3A_220, %parallel_loop3A_221] {strides = array<i32>} : memref<80x128xf32, #tpu.memory_space<vmem>>, vector<16xf32>,
        tpu.vector_store %arg12[%parallel_loop3A_220, %parallel_loop3A_221], %parallel_loop3A_219 {strides = array<i32>} : memref<80x128xf32, #tpu.memory_space<vmem>>, vector<16xf32>,
      } {sc.loop_unroll_factor = 8 : i64, sc.parallel_access}
      %mul3A_146 = arith.constant 80 : i32
      %mul3A_147 = arith.muli %add3A_130, %mul3A_146 : i32
      %add3A_148 = arith.addi %mul3A_2, %mul3A_147 : i32
      %dma_start3A_149 = arith.constant 0 : i32
      %dma_start3A_150 = tpu.memref_slice %arg4[%add3A_148, %dma_start3A_149] : memref<204800x128xf32, #tpu.memory_space<hbm>> -> memref<80x128xf32, #tpu.memory_space<hbm>>
      %dma_start3A_151 = arith.constant 0 : i32
      %dma_start3A_152 = tpu.memref_slice %arg4[%add3A_148, %dma_start3A_151] : memref<204800x128xf32, #tpu.memory_space<hbm>> -> memref<80x128xf32, #tpu.memory_space<hbm>>
      tpu.enqueue_dma source(%arg12 : memref<80x128xf32, #tpu.memory_space<vmem>>) target(%dma_start3A_152 : memref<80x128xf32, #tpu.memory_space<hbm>>) target_semaphore(%arg20 : memref<!tpu.dma_semaphore, #tpu.memory_space<semaphore_mem>>)
      %lt3A_153 = arith.constant 39 : i32
      %lt3A_154 = arith.cmpi slt, %scan3A_69, %lt3A_153 : i32
      %convert_element_type3A_155 = arith.extui %lt3A_154 : i1 to i32
      %cond3A_156 = arith.constant 0 : i32
      %cond3A_157 = arith.cmpi ne, %convert_element_type3A_155, %cond3A_156 : i32
      scf.if %cond3A_157 {
        %add3A_189 = arith.constant 4 : i32
        %add3A_190 = arith.addi %add3A_130, %add3A_189 : i32
        %mul3A_191 = arith.constant 80 : i32
        %mul3A_192 = arith.muli %add3A_190, %mul3A_191 : i32
        %add3A_193 = arith.addi %mul3A_2, %mul3A_192 : i32
        %dma_start3A_194 = arith.constant 0 : i32
        %dma_start3A_195 = tpu.memref_slice %arg2[%add3A_193, %dma_start3A_194] : memref<204800x128xf32, #tpu.memory_space<hbm>> -> memref<80x128xf32, #tpu.memory_space<hbm>>
        %dma_start3A_196 = arith.constant 0 : i32
        %dma_start3A_197 = tpu.memref_slice %arg2[%add3A_193, %dma_start3A_196] : memref<204800x128xf32, #tpu.memory_space<hbm>> -> memref<80x128xf32, #tpu.memory_space<hbm>>
        tpu.enqueue_dma source(%dma_start3A_197 : memref<80x128xf32, #tpu.memory_space<hbm>>) target(%arg8 : memref<80x128xf32, #tpu.memory_space<vmem>>) target_semaphore(%arg16 : memref<!tpu.dma_semaphore, #tpu.memory_space<semaphore_mem>>)
      } else {
      }
      %mul3A_158 = arith.constant 4 : i32
      %mul3A_159 = arith.muli %scan3A_69, %mul3A_158 : i32
      %add3A_160 = arith.constant 3 : i32
      %add3A_161 = arith.addi %mul3A_159, %add3A_160 : i32
      %mul3A_162 = arith.constant 80 : i32
      %mul3A_163 = arith.muli %add3A_161, %mul3A_162 : i32
      %add3A_164 = arith.addi %mul3A_2, %mul3A_163 : i32
      %dma_wait3A_165 = arith.constant 0 : i32
      %dma_wait3A_166 = tpu.memref_slice %arg2[%add3A_164, %dma_wait3A_165] : memref<204800x128xf32, #tpu.memory_space<hbm>> -> memref<80x128xf32, #tpu.memory_space<hbm>>
      %dma_wait3A_167 = arith.constant 0 : i32
      %dma_wait3A_168 = tpu.memref_slice %arg2[%add3A_164, %dma_wait3A_167] : memref<204800x128xf32, #tpu.memory_space<hbm>> -> memref<80x128xf32, #tpu.memory_space<hbm>>
      tpu.wait_dma2 semaphore(%arg17 : memref<!tpu.dma_semaphore, #tpu.memory_space<semaphore_mem>>) src(%dma_wait3A_168 : memref<80x128xf32, #tpu.memory_space<hbm>>) dst(%arg9 : memref<80x128xf32, #tpu.memory_space<vmem>>)
      %gt3A_169 = arith.constant 0 : i32
      %gt3A_170 = arith.cmpi sgt, %scan3A_69, %gt3A_169 : i32
      %convert_element_type3A_171 = arith.extui %gt3A_170 : i1 to i32
      %cond3A_172 = arith.constant 0 : i32
      %cond3A_173 = arith.cmpi ne, %convert_element_type3A_171, %cond3A_172 : i32
      scf.if %cond3A_173 {
        %sub3A = arith.constant 4 : i32
        %sub3A_189 = arith.subi %add3A_161, %sub3A : i32
        %mul3A_190 = arith.constant 80 : i32
        %mul3A_191 = arith.muli %sub3A_189, %mul3A_190 : i32
        %add3A_192 = arith.addi %mul3A_2, %mul3A_191 : i32
        %dma_wait3A_193 = arith.constant 0 : i32
        %dma_wait3A_194 = tpu.memref_slice %arg4[%add3A_192, %dma_wait3A_193] : memref<204800x128xf32, #tpu.memory_space<hbm>> -> memref<80x128xf32, #tpu.memory_space<hbm>>
        %dma_wait3A_195 = arith.constant 0 : i32
        %dma_wait3A_196 = tpu.memref_slice %arg4[%add3A_192, %dma_wait3A_195] : memref<204800x128xf32, #tpu.memory_space<hbm>> -> memref<80x128xf32, #tpu.memory_space<hbm>>
        tpu.wait_dma2 semaphore(%arg21 : memref<!tpu.dma_semaphore, #tpu.memory_space<semaphore_mem>>) src(%arg13 : memref<80x128xf32, #tpu.memory_space<vmem>>) dst(%dma_wait3A_196 : memref<80x128xf32, #tpu.memory_space<hbm>>)
      } else {
      }
      %parallel_loop3A_174 = arith.constant 0 : i32
      %parallel_loop3A_175 = arith.constant 80 : i32
      %parallel_loop3A_176 = arith.constant 1 : i32
      scf.for %parallel_loop3A_189 = %parallel_loop3A_174 to %parallel_loop3A_175 step %parallel_loop3A_176  : i32 {
        %parallel_loop3A_190 = vector.broadcast %parallel_loop3A_189 : i32 to vector<16xi32>
        %parallel_loop3A_191 = tpu.vector_load_idx %arg9[%parallel_loop3A_190, %get3A_3] : memref<80x128xf32, #tpu.memory_space<vmem>>[vector<16xi32>, vector<16xi32>], vector<16xf32>,
        %parallel_loop3A_192 = arith.index_cast %parallel_loop3A_189 : i32 to index
        %parallel_loop3A_193 = arith.constant 0 : index
        %parallel_loop3A_194 = tpu.vector_load %arg13[%parallel_loop3A_192, %parallel_loop3A_193] {strides = array<i32>} : memref<80x128xf32, #tpu.memory_space<vmem>>, vector<16xf32>,
        tpu.vector_store %arg13[%parallel_loop3A_192, %parallel_loop3A_193], %parallel_loop3A_191 {strides = array<i32>} : memref<80x128xf32, #tpu.memory_space<vmem>>, vector<16xf32>,
        %parallel_loop3A_195 = tpu.vector_load_idx %arg9[%parallel_loop3A_190, %get3A_5] : memref<80x128xf32, #tpu.memory_space<vmem>>[vector<16xi32>, vector<16xi32>], vector<16xf32>,
        %parallel_loop3A_196 = arith.index_cast %parallel_loop3A_189 : i32 to index
        %parallel_loop3A_197 = arith.constant 16 : index
        %parallel_loop3A_198 = tpu.vector_load %arg13[%parallel_loop3A_196, %parallel_loop3A_197] {strides = array<i32>} : memref<80x128xf32, #tpu.memory_space<vmem>>, vector<16xf32>,
        tpu.vector_store %arg13[%parallel_loop3A_196, %parallel_loop3A_197], %parallel_loop3A_195 {strides = array<i32>} : memref<80x128xf32, #tpu.memory_space<vmem>>, vector<16xf32>,
        %parallel_loop3A_199 = tpu.vector_load_idx %arg9[%parallel_loop3A_190, %get3A_7] : memref<80x128xf32, #tpu.memory_space<vmem>>[vector<16xi32>, vector<16xi32>], vector<16xf32>,
        %parallel_loop3A_200 = arith.index_cast %parallel_loop3A_189 : i32 to index
        %parallel_loop3A_201 = arith.constant 32 : index
        %parallel_loop3A_202 = tpu.vector_load %arg13[%parallel_loop3A_200, %parallel_loop3A_201] {strides = array<i32>} : memref<80x128xf32, #tpu.memory_space<vmem>>, vector<16xf32>,
        tpu.vector_store %arg13[%parallel_loop3A_200, %parallel_loop3A_201], %parallel_loop3A_199 {strides = array<i32>} : memref<80x128xf32, #tpu.memory_space<vmem>>, vector<16xf32>,
        %parallel_loop3A_203 = tpu.vector_load_idx %arg9[%parallel_loop3A_190, %get3A_9] : memref<80x128xf32, #tpu.memory_space<vmem>>[vector<16xi32>, vector<16xi32>], vector<16xf32>,
        %parallel_loop3A_204 = arith.index_cast %parallel_loop3A_189 : i32 to index
        %parallel_loop3A_205 = arith.constant 48 : index
        %parallel_loop3A_206 = tpu.vector_load %arg13[%parallel_loop3A_204, %parallel_loop3A_205] {strides = array<i32>} : memref<80x128xf32, #tpu.memory_space<vmem>>, vector<16xf32>,
        tpu.vector_store %arg13[%parallel_loop3A_204, %parallel_loop3A_205], %parallel_loop3A_203 {strides = array<i32>} : memref<80x128xf32, #tpu.memory_space<vmem>>, vector<16xf32>,
        %parallel_loop3A_207 = tpu.vector_load_idx %arg9[%parallel_loop3A_190, %get3A_11] : memref<80x128xf32, #tpu.memory_space<vmem>>[vector<16xi32>, vector<16xi32>], vector<16xf32>,
        %parallel_loop3A_208 = arith.index_cast %parallel_loop3A_189 : i32 to index
        %parallel_loop3A_209 = arith.constant 64 : index
        %parallel_loop3A_210 = tpu.vector_load %arg13[%parallel_loop3A_208, %parallel_loop3A_209] {strides = array<i32>} : memref<80x128xf32, #tpu.memory_space<vmem>>, vector<16xf32>,
        tpu.vector_store %arg13[%parallel_loop3A_208, %parallel_loop3A_209], %parallel_loop3A_207 {strides = array<i32>} : memref<80x128xf32, #tpu.memory_space<vmem>>, vector<16xf32>,
        %parallel_loop3A_211 = tpu.vector_load_idx %arg9[%parallel_loop3A_190, %get3A_13] : memref<80x128xf32, #tpu.memory_space<vmem>>[vector<16xi32>, vector<16xi32>], vector<16xf32>,
        %parallel_loop3A_212 = arith.index_cast %parallel_loop3A_189 : i32 to index
        %parallel_loop3A_213 = arith.constant 80 : index
        %parallel_loop3A_214 = tpu.vector_load %arg13[%parallel_loop3A_212, %parallel_loop3A_213] {strides = array<i32>} : memref<80x128xf32, #tpu.memory_space<vmem>>, vector<16xf32>,
        tpu.vector_store %arg13[%parallel_loop3A_212, %parallel_loop3A_213], %parallel_loop3A_211 {strides = array<i32>} : memref<80x128xf32, #tpu.memory_space<vmem>>, vector<16xf32>,
        %parallel_loop3A_215 = tpu.vector_load_idx %arg9[%parallel_loop3A_190, %get3A_15] : memref<80x128xf32, #tpu.memory_space<vmem>>[vector<16xi32>, vector<16xi32>], vector<16xf32>,
        %parallel_loop3A_216 = arith.index_cast %parallel_loop3A_189 : i32 to index
        %parallel_loop3A_217 = arith.constant 96 : index
        %parallel_loop3A_218 = tpu.vector_load %arg13[%parallel_loop3A_216, %parallel_loop3A_217] {strides = array<i32>} : memref<80x128xf32, #tpu.memory_space<vmem>>, vector<16xf32>,
        tpu.vector_store %arg13[%parallel_loop3A_216, %parallel_loop3A_217], %parallel_loop3A_215 {strides = array<i32>} : memref<80x128xf32, #tpu.memory_space<vmem>>, vector<16xf32>,
        %parallel_loop3A_219 = tpu.vector_load_idx %arg9[%parallel_loop3A_190, %get3A_17] : memref<80x128xf32, #tpu.memory_space<vmem>>[vector<16xi32>, vector<16xi32>], vector<16xf32>,
        %parallel_loop3A_220 = arith.index_cast %parallel_loop3A_189 : i32 to index
        %parallel_loop3A_221 = arith.constant 112 : index
        %parallel_loop3A_222 = tpu.vector_load %arg13[%parallel_loop3A_220, %parallel_loop3A_221] {strides = array<i32>} : memref<80x128xf32, #tpu.memory_space<vmem>>, vector<16xf32>,
        tpu.vector_store %arg13[%parallel_loop3A_220, %parallel_loop3A_221], %parallel_loop3A_219 {strides = array<i32>} : memref<80x128xf32, #tpu.memory_space<vmem>>, vector<16xf32>,
      } {sc.loop_unroll_factor = 8 : i64, sc.parallel_access}
      %mul3A_177 = arith.constant 80 : i32
      %mul3A_178 = arith.muli %add3A_161, %mul3A_177 : i32
      %add3A_179 = arith.addi %mul3A_2, %mul3A_178 : i32
      %dma_start3A_180 = arith.constant 0 : i32
      %dma_start3A_181 = tpu.memref_slice %arg4[%add3A_179, %dma_start3A_180] : memref<204800x128xf32, #tpu.memory_space<hbm>> -> memref<80x128xf32, #tpu.memory_space<hbm>>
      %dma_start3A_182 = arith.constant 0 : i32
      %dma_start3A_183 = tpu.memref_slice %arg4[%add3A_179, %dma_start3A_182] : memref<204800x128xf32, #tpu.memory_space<hbm>> -> memref<80x128xf32, #tpu.memory_space<hbm>>
      tpu.enqueue_dma source(%arg13 : memref<80x128xf32, #tpu.memory_space<vmem>>) target(%dma_start3A_183 : memref<80x128xf32, #tpu.memory_space<hbm>>) target_semaphore(%arg21 : memref<!tpu.dma_semaphore, #tpu.memory_space<semaphore_mem>>)
      %lt3A_184 = arith.constant 39 : i32
      %lt3A_185 = arith.cmpi slt, %scan3A_69, %lt3A_184 : i32
      %convert_element_type3A_186 = arith.extui %lt3A_185 : i1 to i32
      %cond3A_187 = arith.constant 0 : i32
      %cond3A_188 = arith.cmpi ne, %convert_element_type3A_186, %cond3A_187 : i32
      scf.if %cond3A_188 {
        %add3A_189 = arith.constant 4 : i32
        %add3A_190 = arith.addi %add3A_161, %add3A_189 : i32
        %mul3A_191 = arith.constant 80 : i32
        %mul3A_192 = arith.muli %add3A_190, %mul3A_191 : i32
        %add3A_193 = arith.addi %mul3A_2, %mul3A_192 : i32
        %dma_start3A_194 = arith.constant 0 : i32
        %dma_start3A_195 = tpu.memref_slice %arg2[%add3A_193, %dma_start3A_194] : memref<204800x128xf32, #tpu.memory_space<hbm>> -> memref<80x128xf32, #tpu.memory_space<hbm>>
        %dma_start3A_196 = arith.constant 0 : i32
        %dma_start3A_197 = tpu.memref_slice %arg2[%add3A_193, %dma_start3A_196] : memref<204800x128xf32, #tpu.memory_space<hbm>> -> memref<80x128xf32, #tpu.memory_space<hbm>>
        tpu.enqueue_dma source(%dma_start3A_197 : memref<80x128xf32, #tpu.memory_space<hbm>>) target(%arg9 : memref<80x128xf32, #tpu.memory_space<vmem>>) target_semaphore(%arg17 : memref<!tpu.dma_semaphore, #tpu.memory_space<semaphore_mem>>)
      } else {
      }
    }
    %scan3A_45 = arith.constant 40 : i32
    %add3A_46 = arith.constant 12480 : i32
    %add3A_47 = arith.addi %mul3A_2, %add3A_46 : i32
    %dma_wait3A = arith.constant 0 : i32
    %dma_wait3A_48 = tpu.memref_slice %arg4[%add3A_47, %dma_wait3A] : memref<204800x128xf32, #tpu.memory_space<hbm>> -> memref<80x128xf32, #tpu.memory_space<hbm>>
    %dma_wait3A_49 = arith.constant 0 : i32
    %dma_wait3A_50 = tpu.memref_slice %arg4[%add3A_47, %dma_wait3A_49] : memref<204800x128xf32, #tpu.memory_space<hbm>> -> memref<80x128xf32, #tpu.memory_space<hbm>>
    tpu.wait_dma2 semaphore(%arg18 : memref<!tpu.dma_semaphore, #tpu.memory_space<semaphore_mem>>) src(%arg10 : memref<80x128xf32, #tpu.memory_space<vmem>>) dst(%dma_wait3A_50 : memref<80x128xf32, #tpu.memory_space<hbm>>)
    %add3A_51 = arith.constant 12560 : i32
    %add3A_52 = arith.addi %mul3A_2, %add3A_51 : i32
    %dma_wait3A_53 = arith.constant 0 : i32
    %dma_wait3A_54 = tpu.memref_slice %arg4[%add3A_52, %dma_wait3A_53] : memref<204800x128xf32, #tpu.memory_space<hbm>> -> memref<80x128xf32, #tpu.memory_space<hbm>>
    %dma_wait3A_55 = arith.constant 0 : i32
    %dma_wait3A_56 = tpu.memref_slice %arg4[%add3A_52, %dma_wait3A_55] : memref<204800x128xf32, #tpu.memory_space<hbm>> -> memref<80x128xf32, #tpu.memory_space<hbm>>
    tpu.wait_dma2 semaphore(%arg19 : memref<!tpu.dma_semaphore, #tpu.memory_space<semaphore_mem>>) src(%arg11 : memref<80x128xf32, #tpu.memory_space<vmem>>) dst(%dma_wait3A_56 : memref<80x128xf32, #tpu.memory_space<hbm>>)
    %add3A_57 = arith.constant 12640 : i32
    %add3A_58 = arith.addi %mul3A_2, %add3A_57 : i32
    %dma_wait3A_59 = arith.constant 0 : i32
    %dma_wait3A_60 = tpu.memref_slice %arg4[%add3A_58, %dma_wait3A_59] : memref<204800x128xf32, #tpu.memory_space<hbm>> -> memref<80x128xf32, #tpu.memory_space<hbm>>
    %dma_wait3A_61 = arith.constant 0 : i32
    %dma_wait3A_62 = tpu.memref_slice %arg4[%add3A_58, %dma_wait3A_61] : memref<204800x128xf32, #tpu.memory_space<hbm>> -> memref<80x128xf32, #tpu.memory_space<hbm>>
    tpu.wait_dma2 semaphore(%arg20 : memref<!tpu.dma_semaphore, #tpu.memory_space<semaphore_mem>>) src(%arg12 : memref<80x128xf32, #tpu.memory_space<vmem>>) dst(%dma_wait3A_62 : memref<80x128xf32, #tpu.memory_space<hbm>>)
    %add3A_63 = arith.constant 12720 : i32
    %add3A_64 = arith.addi %mul3A_2, %add3A_63 : i32
    %dma_wait3A_65 = arith.constant 0 : i32
    %dma_wait3A_66 = tpu.memref_slice %arg4[%add3A_64, %dma_wait3A_65] : memref<204800x128xf32, #tpu.memory_space<hbm>> -> memref<80x128xf32, #tpu.memory_space<hbm>>
    %dma_wait3A_67 = arith.constant 0 : i32
    %dma_wait3A_68 = tpu.memref_slice %arg4[%add3A_64, %dma_wait3A_67] : memref<204800x128xf32, #tpu.memory_space<hbm>> -> memref<80x128xf32, #tpu.memory_space<hbm>>
    tpu.wait_dma2 semaphore(%arg21 : memref<!tpu.dma_semaphore, #tpu.memory_space<semaphore_mem>>) src(%arg13 : memref<80x128xf32, #tpu.memory_space<vmem>>) dst(%dma_wait3A_68 : memref<80x128xf32, #tpu.memory_space<hbm>>)
    return
  }
}

</mosaic_0001>

<sc_bundles>
// kernel: kernel.3.cloned.1.call-start
scs
__scs_entry_jumppad:
0x0: {  	(pc) =	sbr.rel $0x88, $3  }
0x1: {  	(tag) =	ssettag $0x0;
	lr =	simm.s32 $0x1  }
0x2: {  	[smem:$0x3F9F] =	sst lr;
	_ =	strace $0xD0000000  }
0x3: {  	_ = 	snop  }
0x4: {  	_ = 	snop  }
0x5: {  	_ = 	snop  }
0x6: {  	_ = 	snop  }
0x7: {  	_ = 	snop  }
__scs_overlays_trampoline_lowered:
0x8: {  	[smem:$0x3FAE] =	sst s0  }
0x9: {  	[smem:$0x3FAF] =	sst s1  }
0xa: {  	[smem:$0x3FB0] =	sst s2  }
0xb: {  	[smem:$0x3FB1] =	sst s3  }
0xc: {  	[smem:$0x3FB2] =	sst s4  }
0xd: {  	[smem:$0x3FB3] =	sst s5  }
0xe: {  	[smem:$0x3FB4] =	sst s6  }
0xf: {  	[smem:$0x3FB5] =	sst s7  }
0x10: {  	[smem:$0x3FB6] =	sst s8  }
0x11: {  	[smem:$0x3FB7] =	sst s9;
	s0 =	simm.s32 @!p0 $0x0  }
0x12: {  	s1 =	sld [smem:$0x3F9D];
	s0 =	simm.s32 @p0 $0x1  }
0x13: {  	[smem:$0x3FB8] =	sst s0;
	s0 =	simm.s32 @!p1 $0x0  }
0x14: {  	s2 =	sld [smem:$0x3F9C];
	s0 =	simm.s32 @p1 $0x1  }
0x15: {  	[smem:$0x3FB9] =	sst s0;
	s0 =	simm.s32 @!p2 $0x0  }
0x16: {  	s3 =	sld [smem:$0x3FDB];
	s0 =	simm.s32 @p2 $0x1  }
0x17: {  	s4 =	simm.s32 $0x1BF5;
	[smem:$0x3FBB] =	sst s0  }
0x18: {  	s0 =	sld [smem:$0x3F9E];
	_ =	swait.ge [sflag:s4], $0x0  }
0x19: {  	s7 =	sld [smem:$0x3F9F]  }
0x1a: {  	s8 =	sadd.s32 $0xFFFFE003, lr  }
0x1b: {  	s9 =	sadd.s32 $0xFFFFFEF7, lr;
	s5 =	simm.s32 $0xFFFFFFFF;
	p2 =	slt.u32 s8, $0xFFFFF086  }
0x1c: {  	p1 =	slt.u32 s9, $0xF7A;
	s5 =	simm.s32 @!p2 $0x0  }
0x1d: {  	s5 =	simm.s32 @p1 $0x1;
	p0 =	seq.s32 s7, s2  }
0x1e: {  	s7 =	smul.u32 @!p0 $0xF7A, s2;
	p2 =	seq.s32 @!p0 s5, $0x0  }
0x1f: {  	s9 =	smul.u32 $0xF7A, s1;
	s8 =	simm.s32 @!p0 $0x1BF5;
	p2 =	por !p2, p0  }
0x20: {  	[sflag:s8] =	ssyncset.s32 @!p0 $0xFFFFF086;
	s6 =	sadd.s32 @!p0 s3, s7;
	s7 =	simm.s32 @!p0 $0x108  }
0x21: {  	s3 =	sadd.s32 s3, s9;
	s6 =	sadd.s32 @!p0 $0x88, s6;
	s7 =	simm.s32 @p2 $0x1082  }
0x22: {  	[simem:s7], [sflag:s8] =	dma.local @!p0 [hbm:s6], $0xF7A  }
0x23: {  	s9 =	sor.u32 $0xD0000000, s2;
	s6 =	simm.s32 $0x108;
	_ =	swait.ge @!p0 [sflag:s8], $0x0  }
0x24: {  	s3 =	sadd.s32 $0x88, s3;
	s6 =	simm.s32 @!p1 $0x1082;
	[sflag:s4] =	ssyncset.s32 $0xFFFFF086  }
0x25: {  	[simem:s6], [sflag:s4] =	dma.local [hbm:s3], $0xF7A  }
0x26: {  	[smem:$0x3F9F] =	sst s1;
	(tag) =	ssettag s2;
	_ =	strace s9  }
0x27: {  	s1 =	sld [smem:$0x3FAF]  }
0x28: {  	s2 =	sld [smem:$0x3FB0]  }
0x29: {  	s4 =	sld [smem:$0x3FB2]  }
0x2a: {  	p0 =	seq.s32 s5, $0x0;
	s5 =	sld [smem:$0x3FB3]  }
0x2b: {  	s6 =	sld [smem:$0x3FB4]  }
0x2c: {  	s7 =	sld [smem:$0x3FB5]  }
0x2d: {  	s3 =	simm.s32 $0x108;
	s8 =	sld [smem:$0x3FB6]  }
0x2e: {  	s3 =	simm.s32 @!p0 $0x1082;
	s9 =	sld [smem:$0x3FB7]  }
0x2f: {  	lr =	sadd.s32 s0, s3;
	s0 =	sld [smem:$0x3FAE]  }
0x30: {  	s3 =	sld [smem:$0x3FB1]  }
0x31: {  	[smem:$0x3FBA] =	sst s10  }
0x32: {  	s10 =	sld [smem:$0x3FB8];
	_ =	sdelay $0x3  }
0x33: {  	p0 =	seq.s32 s10, $0x1;
	s10 =	sld [smem:$0x3FBA];
	_ =	sdelay $0x3  }
0x34: {  	[smem:$0x3FBA] =	sst s10  }
0x35: {  	s10 =	sld [smem:$0x3FB9];
	_ =	sdelay $0x3  }
0x36: {  	p1 =	seq.s32 s10, $0x1;
	s10 =	sld [smem:$0x3FBA];
	_ =	sdelay $0x3  }
0x37: {  	[smem:$0x3FBA] =	sst s10  }
0x38: {  	s10 =	sld [smem:$0x3FBB]  }
0x39: {  	_ = 	snop;
	(pc) =	sbr.ind lr, $3  }
0x3a: {  	_ = 	snop  }
0x3b: {  	_ = 	snop  }
0x3c: {  	p2 =	seq.s32 s10, $0x1;
	s10 =	sld [smem:$0x3FBA]  }
0x3d: {  	_ =	shalt  }
0x3e: {  	_ =	shalt  }
0x3f: {  	_ =	shalt  }
0x40: {  	_ =	shalt  }
0x41: {  	_ =	shalt  }
0x42: {  	_ =	shalt  }
0x43: {  	_ =	shalt  }
0x44: {  	_ =	shalt  }
0x45: {  	_ =	shalt  }
0x46: {  	_ =	shalt  }
0x47: {  	_ =	shalt  }
0x48: {  	_ =	shalt  }
0x49: {  	_ =	shalt  }
0x4a: {  	_ =	shalt  }
0x4b: {  	_ =	shalt  }
0x4c: {  	_ =	shalt  }
0x4d: {  	_ =	shalt  }
0x4e: {  	_ =	shalt  }
0x4f: {  	_ =	shalt  }
0x50: {  	_ =	shalt  }
0x51: {  	_ =	shalt  }
0x52: {  	_ =	shalt  }
0x53: {  	_ =	shalt  }
0x54: {  	_ =	shalt  }
0x55: {  	_ =	shalt  }
0x56: {  	_ =	shalt  }
0x57: {  	_ =	shalt  }
0x58: {  	_ =	shalt  }
0x59: {  	_ =	shalt  }
0x5a: {  	_ =	shalt  }
0x5b: {  	_ =	shalt  }
0x5c: {  	_ =	shalt  }
0x5d: {  	_ =	shalt  }
0x5e: {  	_ =	shalt  }
0x5f: {  	_ =	shalt  }
0x60: {  	_ =	shalt  }
0x61: {  	_ =	shalt  }
0x62: {  	_ =	shalt  }
0x63: {  	_ =	shalt  }
0x64: {  	_ =	shalt  }
0x65: {  	_ =	shalt  }
0x66: {  	_ =	shalt  }
0x67: {  	_ =	shalt  }
0x68: {  	_ =	shalt  }
0x69: {  	_ =	shalt  }
0x6a: {  	_ =	shalt  }
0x6b: {  	_ =	shalt  }
0x6c: {  	_ =	shalt  }
0x6d: {  	_ =	shalt  }
0x6e: {  	_ =	shalt  }
0x6f: {  	_ =	shalt  }
0x70: {  	_ =	shalt  }
0x71: {  	_ =	shalt  }
0x72: {  	_ =	shalt  }
0x73: {  	_ =	shalt  }
0x74: {  	_ =	shalt  }
0x75: {  	_ =	shalt  }
0x76: {  	_ =	shalt  }
0x77: {  	_ =	shalt  }
0x78: {  	_ =	shalt  }
0x79: {  	_ =	shalt  }
0x7a: {  	_ =	shalt  }
0x7b: {  	_ =	shalt  }
0x7c: {  	_ =	shalt  }
0x7d: {  	_ =	shalt  }
0x7e: {  	_ =	shalt  }
0x7f: {  	_ =	shalt  }
0x80: {  	_ =	shalt  }
0x81: {  	_ =	shalt  }
0x82: {  	_ =	shalt  }
0x83: {  	_ =	shalt  }
0x84: {  	_ =	shalt  }
0x85: {  	_ =	shalt  }
0x86: {  	_ =	shalt  }
0x87: {  	_ =	shalt  }
.Lfunc_end0:
.L_simem_size_0:
called_computation_lowered:
.L_overlay_start_0:
0x88: {  	s0 =	sld [smem:$0x3FD9]  }
0x89: {  	s1 =	sld [smem:$0x3FFE];
	_ =	sdelay $0x3  }
0x8a: {  	s0 =	sadd.s32 s1, s0  }
0x8b: {  	[smem:$0x3FC6] =	sst s0  }
0x8c: {  	_ = 	snop  }
0x8d: {  	s0 =	sld [smem:$0x3FC9]  }
0x8e: {  	s17 =	sld [smem:$0x3FC8]  }
0x8f: {  	s2 =	sld [smem:$0x3FD0];
	(tm) =	ssettm $0x1  }
0x90: {  	s3 =	sld [smem:$0x3FFB];
	_ =	sdelay $0x3  }
0x91: {  	_ =	strace s3  }
0x92: {  	s3 =	sld [smem:$0x3FFC];
	_ =	sdelay $0x3  }
0x93: {  	_ =	strace s3  }
0x94: {  	s3 =	sld [smem:$0x3FFD];
	_ =	sdelay $0x3  }
0x95: {  	_ =	strace s3  }
0x96: {  	_ =	strace $0x8FFFFFFF  }
0x97: {  	s18 =	sld [smem:$0x3FDB];
	_ =	sdelay $0x1  }
0x98: {  	s4 =	simm.s32 $_scs_section_size  }
0x99: {  	s5 =	simm.s32 $_size__tile_overlayer_lowered;
	s6 =	simm.s32 $_tile_overlayer_lowered  }
0x9a: {  	s21 =	simm.s32 $0x1BFF;
	s20 =	sshll.u32 s6, $0x1;
	s3 =	sadd.s32 s4, s18  }
0x9b: {  	s7 =	simm.s32 $0x0;
	s19 =	sshll.u32 s5, $0x1;
	s5 =	sadd.s32 s20, s3  }
0x9c: {  	[timem:s7], [sflag:s21] =	dma.local [hbm:s5], s19  }
0x9d: {  	_ =	swait.ge [sflag:s21], s19  }
0x9e: {  	s4 =	ssub.s32 $0x0, s19;
	[sflag:s21] =	ssyncset.done $0x0  }
0x9f: {  	[sflag:s21] =	ssyncadd.s32 s4;
	_ =	sdelay $0x1  }
0xa0: {  	s22 =	simm.s32 $0x1B8B  }
0xa1: {  	_ =	swait.ge [sflag:s22], $0x1  }
0xa2: {  	[sflag:s22] =	ssyncset.done $0x0  }
0xa3: {  	s23 =	simm.s32 $0x1B8E;
	[sflag:s22] =	ssyncadd.s32 $0xFFFFFFFF  }
0xa4: {  	s24 =	simm.s32 $execute0_lowered;
	[smem:$0x3FD2] =	sst s23  }
0xa5: {  	s4 =	sshll.u32 s24, $0x1;
	_ =	strace $0x80000046;
	[dreg:$0x1] =	wrdreg $0xFFFFFFFF  }
0xa6: {  	s25 =	simm.s32 $_size_execute0_lowered;
	s3 =	sadd.s32 s3, s4;
	[dreg:$0x0] =	wrdreg $0x0  }
0xa7: {  	s4 =	sshll.u32 s25, $0x1;
	[dreg:$0x2] =	wrdreg s3  }
0xa8: {  	[dreg:$0x3] =	wrdreg s4  }
0xa9: {  	[dreg:$0x4] =	wrdreg $0xC0  }
0xaa: {  	_ =	task [dreg:s7], $0x5FFFF  }
0xab: {  	[dreg:$0x1] =	wrdreg $0xFFFFFFFF  }
0xac: {  	[dreg:$0x0] =	wrdreg $0x60  }
0xad: {  	[dreg:$0x2] =	wrdreg s0  }
0xae: {  	[dreg:$0x3] =	wrdreg s17  }
0xaf: {  	[dreg:$0x4] =	wrdreg s2  }
0xb0: {  	[dreg:$0x5] =	wrdreg $0x9  }
0xb1: {  	_ =	task.clear_ibuf [dreg:s7], $0x6FFFF;
	_ =	strace $0x90000046  }
0xb2: {  	s26 =	simm.s32 $0x9;
	_ =	strace $0x80000048  }
0xb3: {  	_ =	swait.ge [sflag:s26], $0x1  }
0xb4: {  	[sflag:s26] =	ssyncadd.s32 $0xFFFFFFFF  }
0xb5: {  	_ =	strace $0x90000048  }
0xb6: {  	_ =	sfence  }
0xb7: {  	s28 =	sld [smem:$0x0];
	_ =	sdelay $0x1  }
0xb8: {  	s29 =	srdreg.scid  }
0xb9: {  	s30 =	sshll.u32 s29, $0xD;
	s31 =	sshrl.u32 s29, $0x2  }
0xba: {  	s1 =	sand.u32 $0x1, s29;
	s2 =	sand.u32 $0x4000, s30;
	s0 =	sadd.s32 s31, s28  }
0xbb: {  	s1 =	sor.u32 s2, s1;
	s0 =	sshll.u32 s0, $0x11  }
0xbc: {  	s0 =	sor.u32 s0, s1  }
0xbd: {  	s0 =	sadd.s32 $0x8F2B, s0  }
0xbe: {  	[sflag:s0] =	ssyncadd.remote.s32 $0x1  }
0xbf: {  	_ =	sfence.sel $0xFFFF  }
0xc0: {  	[dreg:$0x0] =	wrdreg $0xFFFFFFFF;
	(pc) =	sbr.abs _section_cstart, $3  }
0xc1: {  	[dreg:$0x1] =	wrdreg $0xFFFFFFFF  }
0xc2: {  	_ =	task.clear_ibuf [dreg:s7], $0x2FFFF;
	_ =	strace $0x9FFFFFFF  }
0xc3: {  	(tm) =	ssettm $0x7FFFFFFF  }
tec
execute0_lowered:
.L_overlay_start_1:
0x0: {  	(tag) =	ssettag $0x1  }
0x1: {  	s2 =	rddreg [dreg:$0x0]  }
0x2: {  	s0 =	rddreg [dreg:$0x1];
	s4 =	simm.s32 $0x0  }
0x3: {  	[smem:$0x7FF] =	sst s4  }
0x4: {  	s3 =	rddreg [dreg:$0x2];
	s22 =	simm.s32 $0x9;
	_ =	strace $0x80000047  }
0x5: {  	[tilespmem:s4], [sflag:$0x9] =	stream.linear.gather [hbm4b:s0+s4], $0x80, $0x38;
	[tilespmem:$0x14080] =	vst v63  }
0x6: {  	_ =	swait.ge [sflag:s22], $0x80  }
0x7: {  	s1 =	stileid.u32;
	[sflag:s22] =	ssyncset.done $0x0  }
0x8: {  	s8 =	smul.u32 $0x3200, s1;
	[sflag:s22] =	ssyncadd.s32 $0xFFFFFF80  }
0x9: {  	v0 =	vld [tilespmem:$0x0]  }
0xa: {  	s7 =	sor.u32 $0x140, s8;
	v1 =	vld [tilespmem:$0x10]  }
0xb: {  	s10 =	simm.s32 $0x2880;
	s25 =	sor.u32 $0x50, s8;
	[dreg:$0x5] =	wrdreg s7;
	v2 =	vld [tilespmem:$0x20]  }
0xc: {  	s23 =	smul.u32 $0x32000, s1;
	s26 =	sor.u32 $0x190, s8;
	[dreg:$0x6] =	wrdreg s25;
	v3 =	vld [tilespmem:$0x30]  }
0xd: {  	s13 =	simm.s32 $0x5080;
	s28 =	sor.u32 $0xA0, s8;
	[dreg:$0x7] =	wrdreg s26;
	v4 =	vld [tilespmem:$0x40]  }
0xe: {  	s0 =	sadd.s32 s2, s23;
	s29 =	sor.u32 $0x1E0, s8;
	[dreg:$0x8] =	wrdreg s28;
	v5 =	vld [tilespmem:$0x50]  }
0xf: {  	s30 =	sor.u32 $0xF0, s8;
	s7 =	simm.s32 $0x80;
	[dreg:$0x9] =	wrdreg s29;
	v6 =	vld [tilespmem:$0x60]  }
0x10: {  	v7 =	vld [tilespmem:$0x70];
	[tilespmem:s7], [sflag:$0x1] =	stream.linear.gather [hbm4b:s0+s4], $0x2800, $0x38  }
0x11: {  	s16 =	simm.s32 $0x7880;
	s24 =	sadd.s32 $0x500, s0;
	[dreg:$0xa] =	wrdreg s30  }
0x12: {  	[tilespmem:s10], [sflag:$0x2] =	stream.linear.gather [hbm4b:s24+s4], $0x2800, $0x38;
	[tilespmem:$0x14080] =	vst v63  }
0x13: {  	s31 =	sadd.s32 $0x230, s8;
	s5 =	sadd.s32 $0xA00, s0;
	[dreg:$0x4] =	wrdreg s8  }
0x14: {  	[tilespmem:s13], [sflag:$0x3] =	stream.linear.gather [hbm4b:s5+s4], $0x2800, $0x38;
	[tilespmem:$0x14080] =	vst v63  }
0x15: {  	s6 =	sadd.s32 $0xF00, s0;
	[dreg:$0xb] =	wrdreg s31;
	s25 =	simm.s32 $0x0  }
0x16: {  	[tilespmem:s16], [sflag:$0x4] =	stream.linear.gather [hbm4b:s6+s4], $0x2800, $0x38;
	[tilespmem:$0x14080] =	vst v63  }
.LBB2_1:
0x17: {  	s0 =	simm.s32 $0x1  }
0x18: {  	s5 =	simm.s32 $0x180;
	_ =	swait.ge [sflag:s0], $0x2800  }
0x19: {  	p0 =	seq.s32 s25, $0x0;
	s8 =	simm.s32 $0x100;
	v8 =	vadd.s32 s5, v0;
	[sflag:s0] =	ssyncset.done $0x0  }
0x1a: {  	v12 =	vadd.s32 s8, v0;
	[sflag:s0] =	ssyncadd.s32 $0xFFFFD800;
	s0 =	simm.s32 @!p0 $0x5  }
0x1b: {  	s15 =	simm.s32 $0x380;
	_ =	swait.ge @!p0 [sflag:s0], $0x2800  }
0x1c: {  	s6 =	simm.s32 $0x0;
	v10 =	vadd.s32 s15, v0;
	[sflag:s0] =	ssyncset.done @!p0 $0x0  }
0x1d: {  	s9 =	simm.s32 $0x80;
	v9 =	vadd.s32 s6, v0;
	[sflag:s0] =	ssyncadd.s32 @!p0 $0xFFFFD800  }
0x1e: {  	s12 =	simm.s32 $0x300;
	v11 =	vadd.s32 s9, v0;
	v8 =	vld.idx.msk [tilespmem:v8+s7+$0x0], $0xffff  }
0x1f: {  	v17 =	vadd.s32 s12, v0;
	v12 =	vld.idx.msk [tilespmem:v12+s7+$0x0], $0xffff  }
0x20: {  	s11 =	simm.s32 $0x280;
	v13 =	vadd.s32 s5, v1  }
0x21: {  	s26 =	simm.s32 $0x200;
	v15 =	vadd.s32 s11, v0;
	v10 =	vld.idx.msk [tilespmem:v10+s7+$0x0], $0xffff  }
0x22: {  	s31 =	simm.s32 $0xA280;
	v14 =	vadd.s32 s26, v0;
	v9 =	vld.idx.msk [tilespmem:v9+s7+$0x0], $0xffff  }
0x23: {  	v16 =	vadd.s32 s15, v1;
	v11 =	vld.idx.msk [tilespmem:v11+s7+$0x0], $0xffff;
	[tilespmem:s31+$0xFFFFFF80] =	vst v8  }
0x24: {  	v8 =	vadd.s32 s8, v1;
	[tilespmem:s31+$0xFFFFFF00] =	vst v12;
	v12 =	vld.idx.msk [tilespmem:v17+s7+$0x0], $0xffff  }
0x25: {  	v17 =	vadd.s32 s12, v1;
	v13 =	vld.idx.msk [tilespmem:v13+s7+$0x0], $0xffff  }
0x26: {  	v18 =	vadd.s32 s5, v2;
	[tilespmem:s31+$0x180] =	vst v10;
	v10 =	vld.idx.msk [tilespmem:v15+s7+$0x0], $0xffff  }
0x27: {  	v14 =	vld.idx.msk [tilespmem:v14+s7+$0x0], $0xffff;
	v15 =	vadd.s32 s11, v1  }
0x28: {  	v19 =	vadd.s32 s9, v1;
	[tilespmem:s31+$0xFFFFFE80] =	vst v11;
	v16 =	vld.idx.msk [tilespmem:v16+s7+$0x0], $0xffff  }
0x29: {  	v20 =	vadd.s32 s15, v2;
	v8 =	vld.idx.msk [tilespmem:v8+s7+$0x0], $0xffff;
	[tilespmem:s31+$0x100] =	vst v12  }
0x2a: {  	v11 =	vadd.s32 s8, v2;
	[tilespmem:s31+$0xFFFFFF90] =	vst v13;
	v12 =	vld.idx.msk [tilespmem:v17+s7+$0x0], $0xffff  }
0x2b: {  	[tilespmem:s31+$0x80] =	vst v10;
	v17 =	vadd.s32 s12, v2;
	v13 =	vld.idx.msk [tilespmem:v18+s7+$0x0], $0xffff  }
0x2c: {  	[tilespmem:s31+$0x0] =	vst v14;
	v10 =	vadd.s32 s5, v3;
	v15 =	vld.idx.msk [tilespmem:v15+s7+$0x0], $0xffff  }
0x2d: {  	[tilespmem:s31+$0x190] =	vst v16;
	v18 =	vld.idx.msk [tilespmem:v19+s7+$0x0], $0xffff;
	v19 =	vadd.s32 s26, v1  }
0x2e: {  	v16 =	vadd.s32 s6, v1;
	v20 =	vld.idx.msk [tilespmem:v20+s7+$0x0], $0xffff;
	[tilespmem:s31+$0xFFFFFF10] =	vst v8  }
0x2f: {  	v8 =	vadd.s32 s15, v3;
	v11 =	vld.idx.msk [tilespmem:v11+s7+$0x0], $0xffff;
	[tilespmem:s31+$0x110] =	vst v12  }
0x30: {  	[tilespmem:s31+$0xFFFFFFA0] =	vst v13;
	v12 =	vld.idx.msk [tilespmem:v17+s7+$0x0], $0xffff;
	v17 =	vadd.s32 s9, v2  }
0x31: {  	[tilespmem:s31+$0xFFFFFE00] =	vst v9;
	v13 =	vadd.s32 s8, v3;
	v10 =	vld.idx.msk [tilespmem:v10+s7+$0x0], $0xffff  }
0x32: {  	v14 =	vadd.s32 s5, v4;
	[tilespmem:s31+$0x90] =	vst v15;
	v9 =	vld.idx.msk [tilespmem:v19+s7+$0x0], $0xffff  }
0x33: {  	s29 =	simm.s32 $0x780;
	v16 =	vld.idx.msk [tilespmem:v16+s7+$0x0], $0xffff;
	v19 =	vadd.s32 s26, v2;
	[tilespmem:s31+$0x1A0] =	vst v20  }
0x34: {  	[tilespmem:s31+$0xFFFFFE90] =	vst v18;
	v18 =	vadd.s32 s29, v0;
	v8 =	vld.idx.msk [tilespmem:v8+s7+$0x0], $0xffff  }
0x35: {  	v20 =	vadd.s32 s6, v2;
	[tilespmem:s31+$0xFFFFFF20] =	vst v11;
	v17 =	vld.idx.msk [tilespmem:v17+s7+$0x0], $0xffff  }
0x36: {  	v11 =	vadd.s32 s15, v4;
	[tilespmem:s31+$0xFFFFFFB0] =	vst v10;
	v10 =	vld.idx.msk [tilespmem:v13+s7+$0x0], $0xffff  }
0x37: {  	[tilespmem:s31+$0x10] =	vst v9;
	v13 =	vadd.s32 s11, v2;
	v9 =	vld.idx.msk [tilespmem:v14+s7+$0x0], $0xffff  }
0x38: {  	[tilespmem:s31+$0xFFFFFE10] =	vst v16;
	v16 =	vadd.s32 s5, v5;
	v14 =	vld.idx.msk [tilespmem:v19+s7+$0x0], $0xffff  }
0x39: {  	[tilespmem:s31+$0x120] =	vst v12;
	v18 =	vld.idx.msk [tilespmem:v18+s7+$0x0], $0xffff;
	v19 =	vadd.s32 s26, v3  }
0x3a: {  	s28 =	simm.s32 $0x400;
	[tilespmem:s31+$0x1B0] =	vst v8;
	v8 =	vld.idx.msk [tilespmem:v20+s7+$0x0], $0xffff;
	v20 =	vadd.s32 s12, v3  }
0x3b: {  	v15 =	vadd.s32 s28, v0;
	v11 =	vld.idx.msk [tilespmem:v11+s7+$0x0], $0xffff;
	[tilespmem:s31+$0xFFFFFF30] =	vst v10  }
0x3c: {  	s30 =	simm.s32 $0x480;
	v12 =	vadd.s32 s15, v5;
	v13 =	vld.idx.msk [tilespmem:v13+s7+$0x0], $0xffff;
	[tilespmem:s31+$0xFFFFFFC0] =	vst v9  }
0x3d: {  	v10 =	vadd.s32 s30, v0;
	[tilespmem:s31+$0x20] =	vst v14;
	v16 =	vld.idx.msk [tilespmem:v16+s7+$0x0], $0xffff  }
0x3e: {  	v9 =	vadd.s32 s8, v4;
	v14 =	vld.idx.msk [tilespmem:v19+s7+$0x0], $0xffff  }
0x3f: {  	[tilespmem:s31+$0xFFFFFEA0] =	vst v17;
	v19 =	vadd.s32 s11, v3;
	v20 =	vld.idx.msk [tilespmem:v20+s7+$0x0], $0xffff  }
0x40: {  	s24 =	simm.s32 $0xA680;
	[tilespmem:s31+$0x1C0] =	vst v11;
	v11 =	vld.idx.msk [tilespmem:v15+s7+$0x0], $0xffff;
	v15 =	vadd.s32 s9, v3  }
0x41: {  	v21 =	vadd.s32 s6, v3;
	[tilespmem:s24+$0x180] =	vst v18;
	v12 =	vld.idx.msk [tilespmem:v12+s7+$0x0], $0xffff  }
0x42: {  	s0 =	simm.s32 $0x600;
	v18 =	vadd.s32 s5, v6;
	[tilespmem:s31+$0xFFFFFE20] =	vst v8;
	v10 =	vld.idx.msk [tilespmem:v10+s7+$0x0], $0xffff  }
0x43: {  	[tilespmem:s31+$0xA0] =	vst v13;
	v13 =	vadd.s32 s0, v0;
	v8 =	vld.idx.msk [tilespmem:v9+s7+$0x0], $0xffff  }
0x44: {  	s18 =	simm.s32 $0x680;
	v9 =	vadd.s32 s26, v4;
	v17 =	vld.idx.msk [tilespmem:v19+s7+$0x0], $0xffff;
	[tilespmem:s31+$0x30] =	vst v14  }
0x45: {  	s1 =	simm.s32 $0x500;
	v19 =	vadd.s32 s18, v0;
	[tilespmem:s31+$0xFFFFFFD0] =	vst v16;
	v14 =	vld.idx.msk [tilespmem:v15+s7+$0x0], $0xffff  }
0x46: {  	s20 =	simm.s32 $0x580;
	v15 =	vadd.s32 s1, v0;
	[tilespmem:s24+$0xFFFFFE00] =	vst v11;
	v11 =	vld.idx.msk [tilespmem:v21+s7+$0x0], $0xffff  }
0x47: {  	v21 =	vadd.s32 s20, v0;
	v18 =	vld.idx.msk [tilespmem:v18+s7+$0x0], $0xffff;
	[tilespmem:s31+$0x1D0] =	vst v12  }
0x48: {  	v13 =	vld.idx.msk [tilespmem:v13+s7+$0x0], $0xffff;
	[tilespmem:s24+$0xFFFFFE80] =	vst v10;
	v10 =	vadd.s32 s5, v7  }
0x49: {  	v9 =	vld.idx.msk [tilespmem:v9+s7+$0x0], $0xffff;
	[tilespmem:s31+$0xFFFFFF40] =	vst v8;
	v8 =	vadd.s32 s29, v1  }
0x4a: {  	v12 =	vld.idx.msk [tilespmem:v19+s7+$0x0], $0xffff;
	[tilespmem:s31+$0xB0] =	vst v17;
	v17 =	vadd.s32 s11, v4  }
0x4b: {  	v19 =	vadd.s32 s30, v1;
	v15 =	vld.idx.msk [tilespmem:v15+s7+$0x0], $0xffff;
	[tilespmem:s31+$0xFFFFFEB0] =	vst v14  }
0x4c: {  	v16 =	vadd.s32 s12, v4;
	v14 =	vld.idx.msk [tilespmem:v21+s7+$0x0], $0xffff;
	[tilespmem:s31+$0xFFFFFFE0] =	vst v18  }
0x4d: {  	[tilespmem:s31+$0x130] =	vst v20;
	v21 =	vadd.s32 s1, v1;
	v10 =	vld.idx.msk [tilespmem:v10+s7+$0x0], $0xffff  }
0x4e: {  	v20 =	vadd.s32 s20, v1;
	[tilespmem:s31+$0xFFFFFE30] =	vst v11;
	v8 =	vld.idx.msk [tilespmem:v8+s7+$0x0], $0xffff  }
0x4f: {  	s22 =	simm.s32 $0x700;
	[tilespmem:s31+$0x40] =	vst v9;
	v9 =	vadd.s32 s6, v4;
	v17 =	vld.idx.msk [tilespmem:v17+s7+$0x0], $0xffff  }
0x50: {  	v19 =	vld.idx.msk [tilespmem:v19+s7+$0x0], $0xffff;
	[tilespmem:s24+$0x80] =	vst v12;
	v12 =	vadd.s32 s22, v0  }
0x51: {  	v11 =	vadd.s32 s29, v2;
	[tilespmem:s24+$0xFFFFFF00] =	vst v15;
	v15 =	vld.idx.msk [tilespmem:v16+s7+$0x0], $0xffff  }
0x52: {  	v16 =	vadd.s32 s18, v1;
	[tilespmem:s24+$0xFFFFFF80] =	vst v14;
	v21 =	vld.idx.msk [tilespmem:v21+s7+$0x0], $0xffff  }
0x53: {  	[tilespmem:s24+$0x0] =	vst v13;
	v14 =	vadd.s32 s8, v5;
	v18 =	vld.idx.msk [tilespmem:v20+s7+$0x0], $0xffff  }
0x54: {  	v13 =	vadd.s32 s12, v5;
	[tilespmem:s31+$0xFFFFFFF0] =	vst v10;
	v9 =	vld.idx.msk [tilespmem:v9+s7+$0x0], $0xffff  }
0x55: {  	v20 =	vadd.s32 s0, v1;
	[tilespmem:s24+$0x190] =	vst v8;
	v12 =	vld.idx.msk [tilespmem:v12+s7+$0x0], $0xffff  }
0x56: {  	[tilespmem:s24+$0xFFFFFE90] =	vst v19;
	v19 =	vadd.s32 s28, v1;
	v8 =	vld.idx.msk [tilespmem:v11+s7+$0x0], $0xffff  }
0x57: {  	v11 =	vadd.s32 s9, v4;
	[tilespmem:s31+$0xC0] =	vst v17;
	v16 =	vld.idx.msk [tilespmem:v16+s7+$0x0], $0xffff  }
0x58: {  	v14 =	vld.idx.msk [tilespmem:v14+s7+$0x0], $0xffff;
	[tilespmem:s31+$0x140] =	vst v15;
	v15 =	vadd.s32 s20, v2  }
0x59: {  	v17 =	vadd.s32 s22, v1;
	[tilespmem:s24+$0xFFFFFF10] =	vst v21;
	v13 =	vld.idx.msk [tilespmem:v13+s7+$0x0], $0xffff  }
0x5a: {  	v21 =	vadd.s32 s26, v5;
	[tilespmem:s24+$0xFFFFFF90] =	vst v18;
	v18 =	vld.idx.msk [tilespmem:v20+s7+$0x0], $0xffff  }
0x5b: {  	v19 =	vld.idx.msk [tilespmem:v19+s7+$0x0], $0xffff;
	[tilespmem:s24+$0x100] =	vst v12;
	v12 =	vadd.s32 s11, v5  }
0x5c: {  	v20 =	vadd.s32 s1, v2;
	[tilespmem:s31+$0xFFFFFE40] =	vst v9;
	v11 =	vld.idx.msk [tilespmem:v11+s7+$0x0], $0xffff  }
0x5d: {  	[tilespmem:s24+$0x1A0] =	vst v8;
	v8 =	vadd.s32 s6, v5;
	v15 =	vld.idx.msk [tilespmem:v15+s7+$0x0], $0xffff  }
0x5e: {  	v9 =	vadd.s32 s9, v5;
	[tilespmem:s24+$0x90] =	vst v16;
	v17 =	vld.idx.msk [tilespmem:v17+s7+$0x0], $0xffff  }
0x5f: {  	[tilespmem:s31+$0xFFFFFF50] =	vst v14;
	v14 =	vadd.s32 s29, v3;
	v16 =	vld.idx.msk [tilespmem:v21+s7+$0x0], $0xffff  }
0x60: {  	[tilespmem:s31+$0x150] =	vst v13;
	v13 =	vadd.s32 s12, v6;
	v12 =	vld.idx.msk [tilespmem:v12+s7+$0x0], $0xffff  }
0x61: {  	v21 =	vadd.s32 s20, v3;
	[tilespmem:s24+$0xFFFFFE10] =	vst v19;
	v19 =	vld.idx.msk [tilespmem:v20+s7+$0x0], $0xffff  }
0x62: {  	v20 =	vadd.s32 s22, v2;
	v8 =	vld.idx.msk [tilespmem:v8+s7+$0x0], $0xffff;
	[tilespmem:s31+$0xFFFFFEC0] =	vst v11  }
0x63: {  	[tilespmem:s24+$0x10] =	vst v18;
	v11 =	vadd.s32 s15, v6;
	v9 =	vld.idx.msk [tilespmem:v9+s7+$0x0], $0xffff  }
0x64: {  	[tilespmem:s24+$0xFFFFFFA0] =	vst v15;
	v15 =	vadd.s32 s11, v6;
	v14 =	vld.idx.msk [tilespmem:v14+s7+$0x0], $0xffff  }
0x65: {  	[tilespmem:s24+$0x110] =	vst v17;
	v17 =	vadd.s32 s8, v6;
	v18 =	vld.idx.msk [tilespmem:v13+s7+$0x0], $0xffff  }
0x66: {  	v22 =	vadd.s32 s9, v6;
	v21 =	vld.idx.msk [tilespmem:v21+s7+$0x0], $0xffff;
	[tilespmem:s31+$0x50] =	vst v16  }
0x67: {  	v16 =	vadd.s32 s1, v3;
	[tilespmem:s31+$0xD0] =	vst v12;
	v13 =	vld.idx.msk [tilespmem:v20+s7+$0x0], $0xffff  }
0x68: {  	v12 =	vadd.s32 s26, v6;
	[tilespmem:s31+$0xFFFFFE50] =	vst v8;
	v11 =	vld.idx.msk [tilespmem:v11+s7+$0x0], $0xffff  }
0x69: {  	v8 =	vadd.s32 s6, v6;
	[tilespmem:s31+$0xFFFFFED0] =	vst v9;
	v9 =	vld.idx.msk [tilespmem:v15+s7+$0x0], $0xffff  }
0x6a: {  	[tilespmem:s24+$0xFFFFFF20] =	vst v19;
	v19 =	vadd.s32 s12, v7;
	v17 =	vld.idx.msk [tilespmem:v17+s7+$0x0], $0xffff  }
0x6b: {  	[tilespmem:s24+$0xFFFFFFB0] =	vst v21;
	v20 =	vld.idx.msk [tilespmem:v22+s7+$0x0], $0xffff;
	v21 =	vadd.s32 s11, v7  }
0x6c: {  	[tilespmem:s31+$0x160] =	vst v18;
	v18 =	vadd.s32 s15, v7;
	v15 =	vld.idx.msk [tilespmem:v16+s7+$0x0], $0xffff  }
0x6d: {  	v23 =	vadd.s32 s20, v4;
	[tilespmem:s24+$0x1B0] =	vst v14;
	v12 =	vld.idx.msk [tilespmem:v12+s7+$0x0], $0xffff  }
0x6e: {  	v14 =	vadd.s32 s9, v7;
	v8 =	vld.idx.msk [tilespmem:v8+s7+$0x0], $0xffff;
	[tilespmem:s31+$0x1E0] =	vst v11  }
0x6f: {  	v11 =	vadd.s32 s8, v7;
	[tilespmem:s31+$0xE0] =	vst v9;
	v9 =	vld.idx.msk [tilespmem:v19+s7+$0x0], $0xffff  }
0x70: {  	v16 =	vadd.s32 s26, v7;
	[tilespmem:s31+$0xFFFFFF60] =	vst v17;
	v21 =	vld.idx.msk [tilespmem:v21+s7+$0x0], $0xffff  }
0x71: {  	v22 =	vadd.s32 s6, v7;
	[tilespmem:s31+$0xFFFFFEE0] =	vst v20;
	v24 =	vld.idx.msk [tilespmem:v18+s7+$0x0], $0xffff  }
0x72: {  	v25 =	vadd.s32 s0, v2;
	v18 =	vld.idx.msk [tilespmem:v23+s7+$0x0], $0xffff;
	[tilespmem:s31+$0x60] =	vst v12  }
0x73: {  	v26 =	vld.idx.msk [tilespmem:v14+s7+$0x0], $0xffff;
	v12 =	vadd.s32 s28, v2;
	[tilespmem:s31+$0xFFFFFE60] =	vst v8  }
0x74: {  	v19 =	vld.idx.msk [tilespmem:v11+s7+$0x0], $0xffff;
	[tilespmem:s31+$0x170] =	vst v9  }
0x75: {  	v20 =	vld.idx.msk [tilespmem:v16+s7+$0x0], $0xffff;
	[tilespmem:s31+$0xF0] =	vst v21;
	v21 =	vadd.s32 s29, v4  }
0x76: {  	s26 =	smul.u32 $0x140, s25;
	v17 =	vld.idx.msk [tilespmem:v22+s7+$0x0], $0xffff;
	v9 =	vadd.s32 s30, v2;
	[tilespmem:s31+$0x1F0] =	vst v24  }
0x77: {  	v10 =	vadd.s32 s18, v2;
	v14 =	vadd.s32 s20, v5;
	v16 =	vld.idx.msk [tilespmem:v25+s7+$0x0], $0xffff;
	s23 =	rddreg [dreg:$0x4]  }
0x78: {  	s6 =	simm.s32 $0xA680;
	s8 =	simm.s32 $0x10;
	v8 =	vadd.s32 s22, v3;
	v11 =	vadd.s32 s0, v3;
	[tilespmem:s31+$0xFFFFFEF0] =	vst v26;
	s15 =	sadd.s32 s23, s26;
	v12 =	vld.idx.msk [tilespmem:v12+s7+$0x0], $0xffff  }
.LBB2_2:
0x79: {  	s9 =	sshll.u32 s8, $0x7  }
0x7a: {  	v21 =	vld.idx.msk [tilespmem:v21+s7+$0x0], $0xffff;
	s24 =	sadd.s32 $0x400, s24;
	[tilespmem:s31+$0x70] =	vst v20;
	s5 =	smov.u32 s8;
	s23 =	sadd.s32 $0x8, s8  }
0x7b: {  	v22 =	vadd.s32 s1, v4;
	v20 =	vadd.s32 s9, v0;
	s11 =	sadd.s32 $0x100, s9;
	s5 =	sadd.s32 $0x280, s9;
	s14 =	sadd.s32 $0x380, s9;
	v9 =	vld.idx.msk [tilespmem:v9+s7+$0x0], $0xffff;
	[tilespmem:s31+$0xFFFFFF70] =	vst v19  }
0x7c: {  	s12 =	sadd.s32 $0x80, s9;
	s21 =	sadd.s32 $0x180, s9;
	s19 =	sadd.s32 $0x300, s9;
	v19 =	vadd.s32 s5, v0;
	v23 =	vadd.s32 s14, v0;
	v10 =	vld.idx.msk [tilespmem:v10+s7+$0x0], $0xffff;
	[tilespmem:s31+$0xFFFFFE70] =	vst v17  }
0x7d: {  	p1 =	slt.u32 s8, $0x48;
	s17 =	sadd.s32 $0x200, s9;
	v17 =	vadd.s32 s11, v0;
	v24 =	vadd.s32 s21, v0;
	v25 =	vadd.s32 s19, v0;
	s31 =	smov.u32 s6;
	[tilespmem:s6+$0xFFFFFFC0] =	vst v18  }
0x7e: {  	v26 =	vadd.s32 s17, v0;
	v18 =	vadd.s32 s12, v0;
	s6 =	smov.u32 s24;
	v27 =	vld.idx.msk [tilespmem:v14+s7+$0x0], $0xffff;
	[tilespmem:s31+$0x20] =	vst v16  }
0x7f: {  	v11 =	vld.idx.msk [tilespmem:v11+s7+$0x0], $0xffff;
	[tilespmem:s31+$0x120] =	vst v13;
	v13 =	vadd.s32 s29, v5  }
0x80: {  	v14 =	vadd.s32 s18, v3;
	v8 =	vld.idx.msk [tilespmem:v8+s7+$0x0], $0xffff;
	[tilespmem:s31+$0x1C0] =	vst v21  }
0x81: {  	v16 =	vld.idx.msk [tilespmem:v20+s7+$0x0], $0xffff;
	[tilespmem:s31+$0xFFFFFE20] =	vst v12;
	v12 =	vadd.s32 s30, v3  }
0x82: {  	v20 =	vadd.s32 s9, v1;
	v21 =	vld.idx.msk [tilespmem:v23+s7+$0x0], $0xffff;
	v23 =	vadd.s32 s28, v3;
	[tilespmem:s31+$0xFFFFFF30] =	vst v15  }
0x83: {  	v15 =	vadd.s32 s0, v4;
	[tilespmem:s31+$0xFFFFFEA0] =	vst v9;
	v9 =	vld.idx.msk [tilespmem:v22+s7+$0x0], $0xffff  }
0x84: {  	v22 =	vadd.s32 s19, v1;
	[tilespmem:s31+$0xA0] =	vst v10;
	v10 =	vld.idx.msk [tilespmem:v13+s7+$0x0], $0xffff  }
0x85: {  	v13 =	vadd.s32 s17, v1;
	[tilespmem:s31+$0x30] =	vst v11;
	v11 =	vld.idx.msk [tilespmem:v14+s7+$0x0], $0xffff  }
0x86: {  	v28 =	vadd.s32 s14, v1;
	v29 =	vld.idx.msk [tilespmem:v12+s7+$0x0], $0xffff  }
0x87: {  	[tilespmem:s24+$0xFFFFFE00] =	vst v16;
	v16 =	vadd.s32 s12, v1;
	v23 =	vld.idx.msk [tilespmem:v23+s7+$0x0], $0xffff  }
0x88: {  	v30 =	vadd.s32 s21, v1;
	[tilespmem:s24+$0x180] =	vst v21;
	v21 =	vadd.s32 s20, v6;
	v15 =	vld.idx.msk [tilespmem:v15+s7+$0x0], $0xffff  }
0x89: {  	v31 =	vadd.s32 s5, v1;
	v12 =	vadd.s32 s9, v2;
	v18 =	vld.idx.msk [tilespmem:v18+s7+$0x0], $0xffff;
	[tilespmem:s31+$0xFFFFFF40] =	vst v9  }
0x8a: {  	v32 =	vadd.s32 s11, v1;
	v26 =	vld.idx.msk [tilespmem:v26+s7+$0x0], $0xffff;
	[tilespmem:s31+$0x1D0] =	vst v10  }
0x8b: {  	v33 =	vadd.s32 s19, v2;
	v19 =	vld.idx.msk [tilespmem:v19+s7+$0x0], $0xffff;
	[tilespmem:s31+$0xB0] =	vst v11;
	v11 =	vadd.s32 s18, v4  }
0x8c: {  	v14 =	vadd.s32 s17, v2;
	v17 =	vld.idx.msk [tilespmem:v17+s7+$0x0], $0xffff;
	[tilespmem:s31+$0xFFFFFEB0] =	vst v29  }
0x8d: {  	v29 =	vadd.s32 s14, v2;
	v24 =	vld.idx.msk [tilespmem:v24+s7+$0x0], $0xffff;
	[tilespmem:s31+$0xFFFFFFD0] =	vst v27;
	v27 =	vadd.s32 s22, v4  }
0x8e: {  	v9 =	vadd.s32 s12, v2;
	v21 =	vld.idx.msk [tilespmem:v21+s7+$0x0], $0xffff;
	[tilespmem:s31+$0x40] =	vst v15  }
0x8f: {  	v15 =	vadd.s32 s21, v2;
	[tilespmem:s24+$0xFFFFFE80] =	vst v18;
	v18 =	vld.idx.msk [tilespmem:v28+s7+$0x0], $0xffff;
	v28 =	vadd.s32 s28, v4  }
0x90: {  	v34 =	vadd.s32 s20, v7;
	s20 =	smov.u32 s21;
	v10 =	vadd.s32 s5, v2;
	v35 =	vld.idx.msk [tilespmem:v11+s7+$0x0], $0xffff;
	[tilespmem:s31+$0x130] =	vst v8  }
0x91: {  	v36 =	vadd.s32 s11, v2;
	v16 =	vld.idx.msk [tilespmem:v16+s7+$0x0], $0xffff;
	[tilespmem:s24+$0x80] =	vst v19  }
0x92: {  	[tilespmem:s24+$0xFFFFFF00] =	vst v17;
	v17 =	vld.idx.msk [tilespmem:v27+s7+$0x0], $0xffff  }
0x93: {  	v8 =	vadd.s32 s19, v3;
	v19 =	vld.idx.msk [tilespmem:v32+s7+$0x0], $0xffff;
	[tilespmem:s31+$0xFFFFFE30] =	vst v23  }
0x94: {  	v23 =	vld.idx.msk [tilespmem:v28+s7+$0x0], $0xffff;
	[tilespmem:s31+$0xFFFFFFE0] =	vst v21  }
0x95: {  	v11 =	vadd.s32 s17, v3;
	v21 =	vadd.s32 s1, v5;
	[tilespmem:s24+$0xFFFFFF80] =	vst v24;
	v24 =	vld.idx.msk [tilespmem:v34+s7+$0x0], $0xffff  }
0x96: {  	v27 =	vld.idx.msk [tilespmem:v30+s7+$0x0], $0xffff;
	[tilespmem:s24+$0x0] =	vst v26;
	v26 =	vadd.s32 s22, v5  }
0x97: {  	[tilespmem:s24+$0xFFFFFE90] =	vst v16;
	v16 =	vld.idx.msk [tilespmem:v25+s7+$0x0], $0xffff  }
0x98: {  	v25 =	vld.idx.msk [tilespmem:v31+s7+$0x0], $0xffff;
	[tilespmem:s24+$0x190] =	vst v18  }
0x99: {  	[tilespmem:s24+$0xFFFFFF10] =	vst v19;
	v18 =	vld.idx.msk [tilespmem:v29+s7+$0x0], $0xffff;
	v19 =	vadd.s32 s30, v4  }
0x9a: {  	v28 =	vadd.s32 s0, v5;
	v21 =	vld.idx.msk [tilespmem:v21+s7+$0x0], $0xffff;
	[tilespmem:s31+$0x140] =	vst v17  }
0x9b: {  	[tilespmem:s31+$0xC0] =	vst v35;
	v17 =	vld.idx.msk [tilespmem:v26+s7+$0x0], $0xffff  }
0x9c: {  	[tilespmem:s24+$0xFFFFFF90] =	vst v27;
	v13 =	vld.idx.msk [tilespmem:v13+s7+$0x0], $0xffff  }
0x9d: {  	v26 =	vadd.s32 s18, v5;
	v20 =	vld.idx.msk [tilespmem:v20+s7+$0x0], $0xffff;
	[tilespmem:s24+$0x100] =	vst v16;
	v16 =	vadd.s32 s14, v3  }
0x9e: {  	[tilespmem:s24+$0x90] =	vst v25;
	v19 =	vld.idx.msk [tilespmem:v19+s7+$0x0], $0xffff  }
0x9f: {  	[tilespmem:s24+$0x1A0] =	vst v18;
	v18 =	vadd.s32 s28, v5;
	v25 =	vld.idx.msk [tilespmem:v28+s7+$0x0], $0xffff  }
0xa0: {  	v15 =	vld.idx.msk [tilespmem:v15+s7+$0x0], $0xffff;
	[tilespmem:s31+$0xFFFFFE40] =	vst v23;
	v23 =	vadd.s32 s30, v5  }
0xa1: {  	v22 =	vld.idx.msk [tilespmem:v22+s7+$0x0], $0xffff;
	[tilespmem:s31+$0x150] =	vst v17;
	v17 =	vadd.s32 s22, v6  }
0xa2: {  	v27 =	vadd.s32 s20, v3;
	[tilespmem:s31+$0xFFFFFF50] =	vst v21;
	v21 =	vld.idx.msk [tilespmem:v26+s7+$0x0], $0xffff  }
0xa3: {  	[tilespmem:s24+$0xFFFFFE10] =	vst v20;
	v20 =	vld.idx.msk [tilespmem:v36+s7+$0x0], $0xffff  }
0xa4: {  	v18 =	vld.idx.msk [tilespmem:v18+s7+$0x0], $0xffff;
	[tilespmem:s31+$0xFFFFFEC0] =	vst v19  }
0xa5: {  	[tilespmem:s24+$0x10] =	vst v13;
	v19 =	vld.idx.msk [tilespmem:v23+s7+$0x0], $0xffff;
	v23 =	vadd.s32 s29, v6  }
0xa6: {  	[tilespmem:s24+$0xFFFFFFA0] =	vst v15;
	v15 =	vadd.s32 s18, v6;
	v17 =	vld.idx.msk [tilespmem:v17+s7+$0x0], $0xffff  }
0xa7: {  	v26 =	vld.idx.msk [tilespmem:v27+s7+$0x0], $0xffff;
	[tilespmem:s24+$0x110] =	vst v22;
	v22 =	vadd.s32 s1, v6  }
0xa8: {  	v27 =	vadd.s32 s30, v6;
	v16 =	vld.idx.msk [tilespmem:v16+s7+$0x0], $0xffff;
	[tilespmem:s31+$0xD0] =	vst v21  }
0xa9: {  	v21 =	vadd.s32 s0, v6;
	v13 =	vld.idx.msk [tilespmem:v33+s7+$0x0], $0xffff;
	[tilespmem:s31+$0x50] =	vst v25  }
0xaa: {  	[tilespmem:s31+$0xFFFFFE50] =	vst v18;
	v18 =	vadd.s32 s28, v6;
	v23 =	vld.idx.msk [tilespmem:v23+s7+$0x0], $0xffff  }
0xab: {  	v25 =	vadd.s32 s11, v3;
	[tilespmem:s31+$0xFFFFFED0] =	vst v19;
	v19 =	vld.idx.msk [tilespmem:v15+s7+$0x0], $0xffff  }
0xac: {  	[tilespmem:s24+$0xFFFFFF20] =	vst v20;
	v20 =	vld.idx.msk [tilespmem:v22+s7+$0x0], $0xffff;
	v22 =	vadd.s32 s22, v7;
	s22 =	smov.u32 s19  }
0xad: {  	[tilespmem:s24+$0xFFFFFFB0] =	vst v26;
	v26 =	vld.idx.msk [tilespmem:v27+s7+$0x0], $0xffff;
	v27 =	vadd.s32 s18, v7;
	s18 =	smov.u32 s5  }
0xae: {  	v21 =	vld.idx.msk [tilespmem:v21+s7+$0x0], $0xffff;
	[tilespmem:s31+$0x160] =	vst v17;
	v17 =	vadd.s32 s29, v7;
	s29 =	smov.u32 s14  }
0xaf: {  	[tilespmem:s24+$0x1B0] =	vst v16;
	v16 =	vld.idx.msk [tilespmem:v18+s7+$0x0], $0xffff;
	v18 =	vadd.s32 s30, v7;
	s30 =	smov.u32 s12  }
0xb0: {  	v15 =	vld.idx.msk [tilespmem:v25+s7+$0x0], $0xffff;
	v25 =	vadd.s32 s0, v7;
	[tilespmem:s31+$0x1E0] =	vst v23;
	s0 =	smov.u32 s17  }
0xb1: {  	v23 =	vadd.s32 s1, v7;
	s1 =	smov.u32 s11;
	[tilespmem:s31+$0xE0] =	vst v19;
	v22 =	vld.idx.msk [tilespmem:v22+s7+$0x0], $0xffff  }
0xb2: {  	v28 =	vadd.s32 s28, v7;
	s28 =	smov.u32 s9;
	[tilespmem:s31+$0xFFFFFFF0] =	vst v24;
	v24 =	vld.idx.msk [tilespmem:v27+s7+$0x0], $0xffff  }
0xb3: {  	v27 =	vadd.s32 s20, v4;
	[tilespmem:s31+$0xFFFFFEE0] =	vst v26;
	v26 =	vld.idx.msk [tilespmem:v17+s7+$0x0], $0xffff  }
0xb4: {  	v29 =	vld.idx.msk [tilespmem:v18+s7+$0x0], $0xffff;
	[tilespmem:s31+$0x60] =	vst v21  }
0xb5: {  	[tilespmem:s31+$0xFFFFFF60] =	vst v20;
	v20 =	vld.idx.msk [tilespmem:v25+s7+$0x0], $0xffff  }
.Ltmp0:
0xb6: {  	v21 =	vadd.s32 s29, v4;
	[tilespmem:s31+$0xFFFFFE60] =	vst v16;
	v19 =	vld.idx.msk [tilespmem:v23+s7+$0x0], $0xffff;
	(pc) =	sbr.rel @p1 .LBB2_2-.Ltmp0, $4  }
0xb7: {  	v17 =	vld.idx.msk [tilespmem:v28+s7+$0x0], $0xffff;
	[tilespmem:s31+$0x170] =	vst v22  }
0xb8: {  	v18 =	vld.idx.msk [tilespmem:v27+s7+$0x0], $0xffff;
	[tilespmem:s31+$0xF0] =	vst v24  }
0xb9: {  	v16 =	vld.idx.msk [tilespmem:v14+s7+$0x0], $0xffff;
	[tilespmem:s31+$0x1F0] =	vst v26  }
0xba: {  	s8 =	smov.u32 s23;
	v14 =	vadd.s32 s20, v5;
	v12 =	vld.idx.msk [tilespmem:v12+s7+$0x0], $0xffff;
	[tilespmem:s31+$0xFFFFFEF0] =	vst v29  }
0xbb: {  	_ =	sdelay $0x1  }
0xbc: {  	[tilespmem:s31+$0x70] =	vst v20  }
0xbd: {  	[tilespmem:s31+$0xFFFFFF70] =	vst v19  }
0xbe: {  	v19 =	vld.idx.msk [tilespmem:v21+s7+$0x0], $0xffff;
	[tilespmem:s6+$0x120] =	vst v13  }
0xbf: {  	v10 =	vld.idx.msk [tilespmem:v10+s7+$0x0], $0xffff;
	[tilespmem:s6+$0xFFFFFF30] =	vst v15  }
0xc0: {  	v9 =	vld.idx.msk [tilespmem:v9+s7+$0x0], $0xffff;
	v13 =	vadd.s32 s18, v3;
	[tilespmem:s6+$0xFFFFFFC0] =	vst v18  }
0xc1: {  	[tilespmem:s6+$0x20] =	vst v16;
	v16 =	vadd.s32 s29, v5  }
0xc2: {  	v15 =	vadd.s32 s30, v3;
	v8 =	vld.idx.msk [tilespmem:v8+s7+$0x0], $0xffff;
	[tilespmem:s6+$0xFFFFFE20] =	vst v12  }
0xc3: {  	v20 =	vadd.s32 s1, v4;
	v11 =	vld.idx.msk [tilespmem:v11+s7+$0x0], $0xffff;
	[tilespmem:s6+$0x1C0] =	vst v19  }
0xc4: {  	v14 =	vld.idx.msk [tilespmem:v14+s7+$0x0], $0xffff;
	v12 =	vadd.s32 s28, v3;
	[tilespmem:s6+$0xA0] =	vst v10  }
0xc5: {  	[tilespmem:s6+$0xFFFFFEA0] =	vst v9;
	v9 =	vadd.s32 s0, v4;
	v13 =	vld.idx.msk [tilespmem:v13+s7+$0x0], $0xffff  }
0xc6: {  	[tilespmem:s31+$0xFFFFFE70] =	vst v17;
	v10 =	vld.idx.msk [tilespmem:v16+s7+$0x0], $0xffff;
	v16 =	vadd.s32 s22, v4  }
0xc7: {  	v18 =	vadd.s32 s20, v6;
	v15 =	vld.idx.msk [tilespmem:v15+s7+$0x0], $0xffff;
	[tilespmem:s6+$0x130] =	vst v8  }
0xc8: {  	v17 =	vld.idx.msk [tilespmem:v20+s7+$0x0], $0xffff;
	[tilespmem:s6+$0x30] =	vst v11;
	v11 =	vadd.s32 s18, v4  }
0xc9: {  	v8 =	vadd.s32 s30, v4;
	[tilespmem:s6+$0xFFFFFFD0] =	vst v14;
	v12 =	vld.idx.msk [tilespmem:v12+s7+$0x0], $0xffff  }
0xca: {  	v14 =	vadd.s32 s1, v5;
	v9 =	vld.idx.msk [tilespmem:v9+s7+$0x0], $0xffff;
	[tilespmem:s6+$0xB0] =	vst v13  }
0xcb: {  	[tilespmem:s6+$0x1D0] =	vst v10;
	v10 =	vadd.s32 s28, v4;
	v16 =	vld.idx.msk [tilespmem:v16+s7+$0x0], $0xffff  }
0xcc: {  	v13 =	vadd.s32 s22, v5;
	[tilespmem:s6+$0xFFFFFEB0] =	vst v15;
	v15 =	vld.idx.msk [tilespmem:v18+s7+$0x0], $0xffff  }
0xcd: {  	[tilespmem:s6+$0xFFFFFF40] =	vst v17;
	v11 =	vld.idx.msk [tilespmem:v11+s7+$0x0], $0xffff  }
0xce: {  	v17 =	vadd.s32 s18, v5;
	v8 =	vld.idx.msk [tilespmem:v8+s7+$0x0], $0xffff;
	[tilespmem:s6+$0xFFFFFE30] =	vst v12  }
0xcf: {  	v14 =	vld.idx.msk [tilespmem:v14+s7+$0x0], $0xffff;
	v12 =	vadd.s32 s0, v5;
	[tilespmem:s6+$0x40] =	vst v9  }
0xd0: {  	v10 =	vld.idx.msk [tilespmem:v10+s7+$0x0], $0xffff;
	[tilespmem:s6+$0x140] =	vst v16;
	v16 =	vadd.s32 s30, v5  }
0xd1: {  	[tilespmem:s6+$0xFFFFFFE0] =	vst v15;
	v9 =	vld.idx.msk [tilespmem:v13+s7+$0x0], $0xffff;
	v13 =	vadd.s32 s28, v5  }
0xd2: {  	[tilespmem:s6+$0xC0] =	vst v11;
	v11 =	vadd.s32 s22, v6  }
0xd3: {  	[tilespmem:s6+$0xFFFFFEC0] =	vst v8;
	v15 =	vld.idx.msk [tilespmem:v17+s7+$0x0], $0xffff;
	v17 =	vadd.s32 s29, v6  }
0xd4: {  	v18 =	vadd.s32 s20, v7;
	[tilespmem:s6+$0xFFFFFF50] =	vst v14;
	v12 =	vld.idx.msk [tilespmem:v12+s7+$0x0], $0xffff  }
0xd5: {  	v14 =	vadd.s32 s0, v6;
	[tilespmem:s6+$0xFFFFFE40] =	vst v10;
	v10 =	vld.idx.msk [tilespmem:v16+s7+$0x0], $0xffff  }
0xd6: {  	v8 =	vadd.s32 s18, v6;
	[tilespmem:s6+$0x150] =	vst v9;
	v9 =	vld.idx.msk [tilespmem:v13+s7+$0x0], $0xffff  }
0xd7: {  	v13 =	vadd.s32 s30, v6;
	v11 =	vld.idx.msk [tilespmem:v11+s7+$0x0], $0xffff  }
0xd8: {  	[tilespmem:s6+$0xD0] =	vst v15;
	v15 =	vld.idx.msk [tilespmem:v17+s7+$0x0], $0xffff  }
0xd9: {  	v16 =	vadd.s32 s1, v6;
	[tilespmem:s6+$0x50] =	vst v12;
	v17 =	vld.idx.msk [tilespmem:v18+s7+$0x0], $0xffff  }
0xda: {  	v12 =	vadd.s32 s28, v6;
	v14 =	vld.idx.msk [tilespmem:v14+s7+$0x0], $0xffff  }
0xdb: {  	v8 =	vld.idx.msk [tilespmem:v8+s7+$0x0], $0xffff;
	[tilespmem:s6+$0xFFFFFED0] =	vst v10;
	v10 =	vadd.s32 s22, v7  }
0xdc: {  	[tilespmem:s6+$0xFFFFFE50] =	vst v9;
	v9 =	vld.idx.msk [tilespmem:v13+s7+$0x0], $0xffff;
	v13 =	vadd.s32 s18, v7  }
0xdd: {  	[tilespmem:s6+$0x160] =	vst v11;
	v11 =	vadd.s32 s29, v7  }
0xde: {  	v18 =	vadd.s32 s30, v7;
	v16 =	vld.idx.msk [tilespmem:v16+s7+$0x0], $0xffff;
	[tilespmem:s6+$0x1E0] =	vst v15  }
0xdf: {  	v12 =	vld.idx.msk [tilespmem:v12+s7+$0x0], $0xffff;
	v15 =	vadd.s32 s0, v7;
	[tilespmem:s6+$0xFFFFFFF0] =	vst v17  }
0xe0: {  	[tilespmem:s6+$0xE0] =	vst v8;
	v8 =	vadd.s32 s1, v7;
	v10 =	vld.idx.msk [tilespmem:v10+s7+$0x0], $0xffff  }
0xe1: {  	v17 =	vadd.s32 s28, v7;
	[tilespmem:s6+$0x60] =	vst v14;
	v13 =	vld.idx.msk [tilespmem:v13+s7+$0x0], $0xffff  }
0xe2: {  	[tilespmem:s6+$0xFFFFFEE0] =	vst v9;
	v9 =	vld.idx.msk [tilespmem:v11+s7+$0x0], $0xffff  }
0xe3: {  	[tilespmem:s6+$0xFFFFFF60] =	vst v16;
	v11 =	vld.idx.msk [tilespmem:v18+s7+$0x0], $0xffff  }
0xe4: {  	v14 =	vld.idx.msk [tilespmem:v15+s7+$0x0], $0xffff;
	[tilespmem:s6+$0xFFFFFE60] =	vst v12  }
0xe5: {  	v8 =	vld.idx.msk [tilespmem:v8+s7+$0x0], $0xffff;
	[tilespmem:s6+$0x170] =	vst v10  }
0xe6: {  	v10 =	vld.idx.msk [tilespmem:v17+s7+$0x0], $0xffff;
	[tilespmem:s6+$0xF0] =	vst v13  }
0xe7: {  	[tilespmem:s6+$0x1F0] =	vst v9  }
0xe8: {  	[tilespmem:s6+$0xFFFFFEF0] =	vst v11  }
0xe9: {  	[tilespmem:s6+$0x70] =	vst v14  }
0xea: {  	s12 =	sshll.u32 s15, $0x4;
	[tilespmem:s6+$0xFFFFFF70] =	vst v8  }
0xeb: {  	s14 =	simm.s32 $0xA080;
	s0 =	sadd.s32 s3, s12;
	[tilespmem:s6+$0xFFFFFE70] =	vst v10  }
0xec: {  	[hbm4b:s0+s4] =	stream.linear.scatter [tilespmem:s14], [sflag:$0x5], $0x2800, $0x38;
	[tilespmem:$0x14080] =	vst v63  }
0xed: {  	p1 =	seq.s32 s25, $0x27;
	s0 =	rddreg [dreg:$0x5]  }
0xee: {  	s0 =	sadd.s32 @!p1 s26, s0  }
0xef: {  	s15 =	simm.s32 $0x2;
	s0 =	sshll.u32 @!p1 s0, $0x4  }
0xf0: {  	s5 =	simm.s32 @!p1 $0x80;
	s1 =	simm.s32 @!p1 $0x0;
	s0 =	sadd.s32 @!p1 s2, s0  }
0xf1: {  	[tilespmem:s5], [sflag:$0x1] =	stream.linear.gather @!p1 [hbm4b:s0+s1], $0x2800, $0x38;
	[tilespmem:$0x14080] =	vst v63  }
0xf2: {  	s17 =	simm.s32 $0x180;
	_ =	swait.ge [sflag:s15], $0x2800  }
0xf3: {  	s8 =	simm.s32 $0x100;
	v8 =	vadd.s32 s17, v0;
	[sflag:s15] =	ssyncset.done $0x0  }
0xf4: {  	v12 =	vadd.s32 s8, v0;
	s0 =	simm.s32 @!p0 $0x6;
	[sflag:s15] =	ssyncadd.s32 $0xFFFFD800  }
0xf5: {  	s21 =	simm.s32 $0x380;
	_ =	swait.ge @!p0 [sflag:s0], $0x2800  }
0xf6: {  	s19 =	simm.s32 $0x0;
	v10 =	vadd.s32 s21, v0;
	[sflag:s0] =	ssyncset.done @!p0 $0x0  }
0xf7: {  	s9 =	simm.s32 $0x80;
	v9 =	vadd.s32 s19, v0;
	[sflag:s0] =	ssyncadd.s32 @!p0 $0xFFFFD800  }
0xf8: {  	v11 =	vadd.s32 s9, v0;
	s14 =	simm.s32 $0x300;
	v8 =	vld.idx.msk [tilespmem:v8+s10+$0x0], $0xffff  }
0xf9: {  	v17 =	vadd.s32 s14, v0;
	v12 =	vld.idx.msk [tilespmem:v12+s10+$0x0], $0xffff  }
0xfa: {  	s12 =	simm.s32 $0x280;
	v13 =	vadd.s32 s17, v1  }
0xfb: {  	s11 =	simm.s32 $0x200;
	v15 =	vadd.s32 s12, v0;
	v10 =	vld.idx.msk [tilespmem:v10+s10+$0x0], $0xffff  }
0xfc: {  	v14 =	vadd.s32 s11, v0;
	s0 =	simm.s32 $0xCA80;
	v9 =	vld.idx.msk [tilespmem:v9+s10+$0x0], $0xffff  }
0xfd: {  	v16 =	vadd.s32 s21, v1;
	v11 =	vld.idx.msk [tilespmem:v11+s10+$0x0], $0xffff;
	[tilespmem:s0+$0xFFFFFF80] =	vst v8  }
0xfe: {  	v8 =	vadd.s32 s8, v1;
	[tilespmem:s0+$0xFFFFFF00] =	vst v12;
	v12 =	vld.idx.msk [tilespmem:v17+s10+$0x0], $0xffff  }
0xff: {  	v17 =	vadd.s32 s14, v1;
	v13 =	vld.idx.msk [tilespmem:v13+s10+$0x0], $0xffff  }
0x100: {  	v18 =	vadd.s32 s17, v2;
	[tilespmem:s0+$0x180] =	vst v10;
	v10 =	vld.idx.msk [tilespmem:v15+s10+$0x0], $0xffff  }
0x101: {  	v14 =	vld.idx.msk [tilespmem:v14+s10+$0x0], $0xffff;
	v15 =	vadd.s32 s12, v1  }
0x102: {  	v19 =	vadd.s32 s9, v1;
	[tilespmem:s0+$0xFFFFFE80] =	vst v11;
	v16 =	vld.idx.msk [tilespmem:v16+s10+$0x0], $0xffff  }
0x103: {  	v20 =	vadd.s32 s21, v2;
	v8 =	vld.idx.msk [tilespmem:v8+s10+$0x0], $0xffff;
	[tilespmem:s0+$0x100] =	vst v12  }
0x104: {  	v11 =	vadd.s32 s8, v2;
	[tilespmem:s0+$0xFFFFFF90] =	vst v13;
	v12 =	vld.idx.msk [tilespmem:v17+s10+$0x0], $0xffff  }
0x105: {  	[tilespmem:s0+$0x80] =	vst v10;
	v17 =	vadd.s32 s14, v2;
	v13 =	vld.idx.msk [tilespmem:v18+s10+$0x0], $0xffff  }
0x106: {  	[tilespmem:s0+$0x0] =	vst v14;
	v10 =	vadd.s32 s17, v3;
	v15 =	vld.idx.msk [tilespmem:v15+s10+$0x0], $0xffff  }
0x107: {  	[tilespmem:s0+$0x190] =	vst v16;
	v18 =	vld.idx.msk [tilespmem:v19+s10+$0x0], $0xffff;
	v19 =	vadd.s32 s11, v1  }
0x108: {  	v16 =	vadd.s32 s19, v1;
	v20 =	vld.idx.msk [tilespmem:v20+s10+$0x0], $0xffff;
	[tilespmem:s0+$0xFFFFFF10] =	vst v8  }
0x109: {  	v8 =	vadd.s32 s21, v3;
	v11 =	vld.idx.msk [tilespmem:v11+s10+$0x0], $0xffff;
	[tilespmem:s0+$0x110] =	vst v12  }
0x10a: {  	[tilespmem:s0+$0xFFFFFFA0] =	vst v13;
	v12 =	vld.idx.msk [tilespmem:v17+s10+$0x0], $0xffff;
	v17 =	vadd.s32 s9, v2  }
0x10b: {  	[tilespmem:s0+$0xFFFFFE00] =	vst v9;
	v13 =	vadd.s32 s8, v3;
	v10 =	vld.idx.msk [tilespmem:v10+s10+$0x0], $0xffff  }
0x10c: {  	v14 =	vadd.s32 s17, v4;
	[tilespmem:s0+$0x90] =	vst v15;
	v9 =	vld.idx.msk [tilespmem:v19+s10+$0x0], $0xffff  }
0x10d: {  	s29 =	simm.s32 $0x780;
	v16 =	vld.idx.msk [tilespmem:v16+s10+$0x0], $0xffff;
	v19 =	vadd.s32 s11, v2;
	[tilespmem:s0+$0x1A0] =	vst v20  }
0x10e: {  	[tilespmem:s0+$0xFFFFFE90] =	vst v18;
	v18 =	vadd.s32 s29, v0;
	v8 =	vld.idx.msk [tilespmem:v8+s10+$0x0], $0xffff  }
0x10f: {  	v20 =	vadd.s32 s19, v2;
	[tilespmem:s0+$0xFFFFFF20] =	vst v11;
	v17 =	vld.idx.msk [tilespmem:v17+s10+$0x0], $0xffff  }
0x110: {  	v11 =	vadd.s32 s21, v4;
	[tilespmem:s0+$0xFFFFFFB0] =	vst v10;
	v10 =	vld.idx.msk [tilespmem:v13+s10+$0x0], $0xffff  }
0x111: {  	[tilespmem:s0+$0x10] =	vst v9;
	v13 =	vadd.s32 s12, v2;
	v9 =	vld.idx.msk [tilespmem:v14+s10+$0x0], $0xffff  }
0x112: {  	[tilespmem:s0+$0xFFFFFE10] =	vst v16;
	v16 =	vadd.s32 s17, v5;
	v14 =	vld.idx.msk [tilespmem:v19+s10+$0x0], $0xffff  }
0x113: {  	[tilespmem:s0+$0x120] =	vst v12;
	v18 =	vld.idx.msk [tilespmem:v18+s10+$0x0], $0xffff;
	v19 =	vadd.s32 s11, v3  }
0x114: {  	s28 =	simm.s32 $0x400;
	[tilespmem:s0+$0x1B0] =	vst v8;
	v8 =	vld.idx.msk [tilespmem:v20+s10+$0x0], $0xffff;
	v20 =	vadd.s32 s14, v3  }
0x115: {  	v15 =	vadd.s32 s28, v0;
	v11 =	vld.idx.msk [tilespmem:v11+s10+$0x0], $0xffff;
	[tilespmem:s0+$0xFFFFFF30] =	vst v10  }
0x116: {  	s30 =	simm.s32 $0x480;
	v12 =	vadd.s32 s21, v5;
	v13 =	vld.idx.msk [tilespmem:v13+s10+$0x0], $0xffff;
	[tilespmem:s0+$0xFFFFFFC0] =	vst v9  }
0x117: {  	v10 =	vadd.s32 s30, v0;
	[tilespmem:s0+$0x20] =	vst v14;
	v16 =	vld.idx.msk [tilespmem:v16+s10+$0x0], $0xffff  }
0x118: {  	v9 =	vadd.s32 s8, v4;
	v14 =	vld.idx.msk [tilespmem:v19+s10+$0x0], $0xffff  }
0x119: {  	[tilespmem:s0+$0xFFFFFEA0] =	vst v17;
	v19 =	vadd.s32 s12, v3;
	v20 =	vld.idx.msk [tilespmem:v20+s10+$0x0], $0xffff  }
0x11a: {  	s24 =	simm.s32 $0xCE80;
	[tilespmem:s0+$0x1C0] =	vst v11;
	v11 =	vld.idx.msk [tilespmem:v15+s10+$0x0], $0xffff;
	v15 =	vadd.s32 s9, v3  }
0x11b: {  	v21 =	vadd.s32 s19, v3;
	[tilespmem:s24+$0x180] =	vst v18;
	v12 =	vld.idx.msk [tilespmem:v12+s10+$0x0], $0xffff  }
0x11c: {  	s31 =	simm.s32 $0x600;
	v18 =	vadd.s32 s17, v6;
	[tilespmem:s0+$0xFFFFFE20] =	vst v8;
	v10 =	vld.idx.msk [tilespmem:v10+s10+$0x0], $0xffff  }
0x11d: {  	[tilespmem:s0+$0xA0] =	vst v13;
	v13 =	vadd.s32 s31, v0;
	v8 =	vld.idx.msk [tilespmem:v9+s10+$0x0], $0xffff  }
0x11e: {  	s18 =	simm.s32 $0x680;
	v9 =	vadd.s32 s11, v4;
	v17 =	vld.idx.msk [tilespmem:v19+s10+$0x0], $0xffff;
	[tilespmem:s0+$0x30] =	vst v14  }
0x11f: {  	s1 =	simm.s32 $0x500;
	v19 =	vadd.s32 s18, v0;
	[tilespmem:s0+$0xFFFFFFD0] =	vst v16;
	v14 =	vld.idx.msk [tilespmem:v15+s10+$0x0], $0xffff  }
0x120: {  	s20 =	simm.s32 $0x580;
	v15 =	vadd.s32 s1, v0;
	[tilespmem:s24+$0xFFFFFE00] =	vst v11;
	v11 =	vld.idx.msk [tilespmem:v21+s10+$0x0], $0xffff  }
0x121: {  	v21 =	vadd.s32 s20, v0;
	v18 =	vld.idx.msk [tilespmem:v18+s10+$0x0], $0xffff;
	[tilespmem:s0+$0x1D0] =	vst v12  }
0x122: {  	v13 =	vld.idx.msk [tilespmem:v13+s10+$0x0], $0xffff;
	[tilespmem:s24+$0xFFFFFE80] =	vst v10;
	v10 =	vadd.s32 s17, v7  }
0x123: {  	v9 =	vld.idx.msk [tilespmem:v9+s10+$0x0], $0xffff;
	[tilespmem:s0+$0xFFFFFF40] =	vst v8;
	v8 =	vadd.s32 s29, v1  }
0x124: {  	v12 =	vld.idx.msk [tilespmem:v19+s10+$0x0], $0xffff;
	[tilespmem:s0+$0xB0] =	vst v17;
	v17 =	vadd.s32 s12, v4  }
0x125: {  	v19 =	vadd.s32 s30, v1;
	v15 =	vld.idx.msk [tilespmem:v15+s10+$0x0], $0xffff;
	[tilespmem:s0+$0xFFFFFEB0] =	vst v14  }
0x126: {  	v16 =	vadd.s32 s14, v4;
	v14 =	vld.idx.msk [tilespmem:v21+s10+$0x0], $0xffff;
	[tilespmem:s0+$0xFFFFFFE0] =	vst v18  }
0x127: {  	[tilespmem:s0+$0x130] =	vst v20;
	v21 =	vadd.s32 s1, v1;
	v10 =	vld.idx.msk [tilespmem:v10+s10+$0x0], $0xffff  }
0x128: {  	v20 =	vadd.s32 s20, v1;
	[tilespmem:s0+$0xFFFFFE30] =	vst v11;
	v8 =	vld.idx.msk [tilespmem:v8+s10+$0x0], $0xffff  }
0x129: {  	s22 =	simm.s32 $0x700;
	[tilespmem:s0+$0x40] =	vst v9;
	v9 =	vadd.s32 s19, v4;
	v17 =	vld.idx.msk [tilespmem:v17+s10+$0x0], $0xffff  }
0x12a: {  	v19 =	vld.idx.msk [tilespmem:v19+s10+$0x0], $0xffff;
	[tilespmem:s24+$0x80] =	vst v12;
	v12 =	vadd.s32 s22, v0  }
0x12b: {  	v11 =	vadd.s32 s29, v2;
	[tilespmem:s24+$0xFFFFFF00] =	vst v15;
	v15 =	vld.idx.msk [tilespmem:v16+s10+$0x0], $0xffff  }
0x12c: {  	v16 =	vadd.s32 s18, v1;
	[tilespmem:s24+$0xFFFFFF80] =	vst v14;
	v21 =	vld.idx.msk [tilespmem:v21+s10+$0x0], $0xffff  }
0x12d: {  	[tilespmem:s24+$0x0] =	vst v13;
	v14 =	vadd.s32 s8, v5;
	v18 =	vld.idx.msk [tilespmem:v20+s10+$0x0], $0xffff  }
0x12e: {  	v13 =	vadd.s32 s14, v5;
	[tilespmem:s0+$0xFFFFFFF0] =	vst v10;
	v9 =	vld.idx.msk [tilespmem:v9+s10+$0x0], $0xffff  }
0x12f: {  	v20 =	vadd.s32 s31, v1;
	[tilespmem:s24+$0x190] =	vst v8;
	v12 =	vld.idx.msk [tilespmem:v12+s10+$0x0], $0xffff  }
0x130: {  	[tilespmem:s24+$0xFFFFFE90] =	vst v19;
	v19 =	vadd.s32 s28, v1;
	v8 =	vld.idx.msk [tilespmem:v11+s10+$0x0], $0xffff  }
0x131: {  	v11 =	vadd.s32 s9, v4;
	[tilespmem:s0+$0xC0] =	vst v17;
	v16 =	vld.idx.msk [tilespmem:v16+s10+$0x0], $0xffff  }
0x132: {  	v14 =	vld.idx.msk [tilespmem:v14+s10+$0x0], $0xffff;
	[tilespmem:s0+$0x140] =	vst v15;
	v15 =	vadd.s32 s20, v2  }
0x133: {  	v17 =	vadd.s32 s22, v1;
	[tilespmem:s24+$0xFFFFFF10] =	vst v21;
	v13 =	vld.idx.msk [tilespmem:v13+s10+$0x0], $0xffff  }
0x134: {  	v21 =	vadd.s32 s11, v5;
	[tilespmem:s24+$0xFFFFFF90] =	vst v18;
	v18 =	vld.idx.msk [tilespmem:v20+s10+$0x0], $0xffff  }
0x135: {  	v19 =	vld.idx.msk [tilespmem:v19+s10+$0x0], $0xffff;
	[tilespmem:s24+$0x100] =	vst v12;
	v12 =	vadd.s32 s12, v5  }
0x136: {  	v20 =	vadd.s32 s1, v2;
	[tilespmem:s0+$0xFFFFFE40] =	vst v9;
	v11 =	vld.idx.msk [tilespmem:v11+s10+$0x0], $0xffff  }
0x137: {  	[tilespmem:s24+$0x1A0] =	vst v8;
	v8 =	vadd.s32 s19, v5;
	v15 =	vld.idx.msk [tilespmem:v15+s10+$0x0], $0xffff  }
0x138: {  	v9 =	vadd.s32 s9, v5;
	[tilespmem:s24+$0x90] =	vst v16;
	v17 =	vld.idx.msk [tilespmem:v17+s10+$0x0], $0xffff  }
0x139: {  	[tilespmem:s0+$0xFFFFFF50] =	vst v14;
	v14 =	vadd.s32 s29, v3;
	v16 =	vld.idx.msk [tilespmem:v21+s10+$0x0], $0xffff  }
0x13a: {  	[tilespmem:s0+$0x150] =	vst v13;
	v13 =	vadd.s32 s14, v6;
	v12 =	vld.idx.msk [tilespmem:v12+s10+$0x0], $0xffff  }
0x13b: {  	v21 =	vadd.s32 s20, v3;
	[tilespmem:s24+$0xFFFFFE10] =	vst v19;
	v19 =	vld.idx.msk [tilespmem:v20+s10+$0x0], $0xffff  }
0x13c: {  	v20 =	vadd.s32 s22, v2;
	v8 =	vld.idx.msk [tilespmem:v8+s10+$0x0], $0xffff;
	[tilespmem:s0+$0xFFFFFEC0] =	vst v11  }
0x13d: {  	[tilespmem:s24+$0x10] =	vst v18;
	v11 =	vadd.s32 s21, v6;
	v9 =	vld.idx.msk [tilespmem:v9+s10+$0x0], $0xffff  }
0x13e: {  	[tilespmem:s24+$0xFFFFFFA0] =	vst v15;
	v15 =	vadd.s32 s12, v6;
	v14 =	vld.idx.msk [tilespmem:v14+s10+$0x0], $0xffff  }
0x13f: {  	[tilespmem:s24+$0x110] =	vst v17;
	v17 =	vadd.s32 s8, v6;
	v18 =	vld.idx.msk [tilespmem:v13+s10+$0x0], $0xffff  }
0x140: {  	v22 =	vadd.s32 s9, v6;
	v21 =	vld.idx.msk [tilespmem:v21+s10+$0x0], $0xffff;
	[tilespmem:s0+$0x50] =	vst v16  }
0x141: {  	v16 =	vadd.s32 s1, v3;
	[tilespmem:s0+$0xD0] =	vst v12;
	v13 =	vld.idx.msk [tilespmem:v20+s10+$0x0], $0xffff  }
0x142: {  	v12 =	vadd.s32 s11, v6;
	[tilespmem:s0+$0xFFFFFE50] =	vst v8;
	v11 =	vld.idx.msk [tilespmem:v11+s10+$0x0], $0xffff  }
0x143: {  	v8 =	vadd.s32 s19, v6;
	[tilespmem:s0+$0xFFFFFED0] =	vst v9;
	v9 =	vld.idx.msk [tilespmem:v15+s10+$0x0], $0xffff  }
0x144: {  	v20 =	vadd.s32 s14, v7;
	[tilespmem:s24+$0xFFFFFF20] =	vst v19;
	v17 =	vld.idx.msk [tilespmem:v17+s10+$0x0], $0xffff  }
0x145: {  	[tilespmem:s24+$0xFFFFFFB0] =	vst v21;
	v21 =	vld.idx.msk [tilespmem:v22+s10+$0x0], $0xffff;
	v22 =	vadd.s32 s21, v7  }
0x146: {  	v19 =	vadd.s32 s12, v7;
	[tilespmem:s24+$0x1B0] =	vst v14;
	v15 =	vld.idx.msk [tilespmem:v16+s10+$0x0], $0xffff  }
0x147: {  	v24 =	vadd.s32 s20, v4;
	[tilespmem:s0+$0x160] =	vst v18;
	v12 =	vld.idx.msk [tilespmem:v12+s10+$0x0], $0xffff  }
0x148: {  	v18 =	vadd.s32 s9, v7;
	v8 =	vld.idx.msk [tilespmem:v8+s10+$0x0], $0xffff;
	[tilespmem:s0+$0x1E0] =	vst v11  }
0x149: {  	v11 =	vadd.s32 s8, v7;
	[tilespmem:s0+$0xE0] =	vst v9;
	v9 =	vld.idx.msk [tilespmem:v20+s10+$0x0], $0xffff  }
0x14a: {  	v14 =	vadd.s32 s11, v7;
	[tilespmem:s0+$0xFFFFFEE0] =	vst v21;
	v21 =	vld.idx.msk [tilespmem:v22+s10+$0x0], $0xffff  }
0x14b: {  	v16 =	vadd.s32 s19, v7;
	[tilespmem:s0+$0xFFFFFF60] =	vst v17;
	v23 =	vld.idx.msk [tilespmem:v19+s10+$0x0], $0xffff  }
0x14c: {  	v17 =	vld.idx.msk [tilespmem:v24+s10+$0x0], $0xffff;
	v22 =	vadd.s32 s31, v2;
	[tilespmem:s0+$0x60] =	vst v12  }
0x14d: {  	v25 =	vld.idx.msk [tilespmem:v18+s10+$0x0], $0xffff;
	v12 =	vadd.s32 s28, v2;
	[tilespmem:s0+$0xFFFFFE60] =	vst v8  }
0x14e: {  	v19 =	vld.idx.msk [tilespmem:v11+s10+$0x0], $0xffff;
	[tilespmem:s0+$0x170] =	vst v9  }
0x14f: {  	v20 =	vld.idx.msk [tilespmem:v14+s10+$0x0], $0xffff;
	[tilespmem:s0+$0x1F0] =	vst v21;
	v21 =	vadd.s32 s29, v4  }
0x150: {  	v18 =	vld.idx.msk [tilespmem:v16+s10+$0x0], $0xffff;
	v9 =	vadd.s32 s30, v2;
	[tilespmem:s0+$0xF0] =	vst v23  }
0x151: {  	v10 =	vadd.s32 s18, v2;
	v8 =	vadd.s32 s22, v3;
	v16 =	vld.idx.msk [tilespmem:v22+s10+$0x0], $0xffff;
	s23 =	rddreg [dreg:$0x6]  }
0x152: {  	s6 =	simm.s32 $0xCE80;
	v11 =	vadd.s32 s31, v3;
	v14 =	vadd.s32 s20, v5;
	[tilespmem:s0+$0xFFFFFEF0] =	vst v25;
	s15 =	sadd.s32 s26, s23;
	s23 =	simm.s32 $0x10;
	v12 =	vld.idx.msk [tilespmem:v12+s10+$0x0], $0xffff  }
.LBB2_4:
0x153: {  	s9 =	sshll.u32 s23, $0x7  }
0x154: {  	v21 =	vld.idx.msk [tilespmem:v21+s10+$0x0], $0xffff;
	s24 =	sadd.s32 $0x400, s24;
	[tilespmem:s0+$0x70] =	vst v20;
	s5 =	smov.u32 s23;
	s8 =	sadd.s32 $0x8, s23  }
0x155: {  	v22 =	vadd.s32 s1, v4;
	v20 =	vadd.s32 s9, v0;
	s11 =	sadd.s32 $0x100, s9;
	s5 =	sadd.s32 $0x280, s9;
	s14 =	sadd.s32 $0x380, s9;
	v9 =	vld.idx.msk [tilespmem:v9+s10+$0x0], $0xffff;
	[tilespmem:s0+$0xFFFFFF70] =	vst v19  }
0x156: {  	s12 =	sadd.s32 $0x80, s9;
	s21 =	sadd.s32 $0x180, s9;
	s19 =	sadd.s32 $0x300, s9;
	v19 =	vadd.s32 s5, v0;
	v23 =	vadd.s32 s14, v0;
	v10 =	vld.idx.msk [tilespmem:v10+s10+$0x0], $0xffff;
	[tilespmem:s0+$0xFFFFFE70] =	vst v18  }
0x157: {  	p2 =	slt.u32 s23, $0x48;
	s17 =	sadd.s32 $0x200, s9;
	v18 =	vadd.s32 s11, v0;
	v24 =	vadd.s32 s21, v0;
	v25 =	vadd.s32 s19, v0;
	s0 =	smov.u32 s6;
	[tilespmem:s6+$0xFFFFFFC0] =	vst v17  }
0x158: {  	v26 =	vadd.s32 s17, v0;
	v17 =	vadd.s32 s12, v0;
	s6 =	smov.u32 s24;
	v27 =	vld.idx.msk [tilespmem:v14+s10+$0x0], $0xffff;
	[tilespmem:s0+$0x20] =	vst v16  }
0x159: {  	v11 =	vld.idx.msk [tilespmem:v11+s10+$0x0], $0xffff;
	[tilespmem:s0+$0x120] =	vst v13;
	v13 =	vadd.s32 s29, v5  }
0x15a: {  	v14 =	vadd.s32 s18, v3;
	v8 =	vld.idx.msk [tilespmem:v8+s10+$0x0], $0xffff;
	[tilespmem:s0+$0x1C0] =	vst v21  }
0x15b: {  	v16 =	vld.idx.msk [tilespmem:v20+s10+$0x0], $0xffff;
	[tilespmem:s0+$0xFFFFFE20] =	vst v12;
	v12 =	vadd.s32 s30, v3  }
0x15c: {  	v20 =	vadd.s32 s9, v1;
	v21 =	vld.idx.msk [tilespmem:v23+s10+$0x0], $0xffff;
	v23 =	vadd.s32 s28, v3;
	[tilespmem:s0+$0xFFFFFF30] =	vst v15  }
0x15d: {  	v15 =	vadd.s32 s31, v4;
	[tilespmem:s0+$0xFFFFFEA0] =	vst v9;
	v9 =	vld.idx.msk [tilespmem:v22+s10+$0x0], $0xffff  }
0x15e: {  	v22 =	vadd.s32 s19, v1;
	[tilespmem:s0+$0xA0] =	vst v10;
	v10 =	vld.idx.msk [tilespmem:v13+s10+$0x0], $0xffff  }
0x15f: {  	v13 =	vadd.s32 s17, v1;
	[tilespmem:s0+$0x30] =	vst v11;
	v11 =	vld.idx.msk [tilespmem:v14+s10+$0x0], $0xffff  }
0x160: {  	v28 =	vadd.s32 s14, v1;
	v29 =	vld.idx.msk [tilespmem:v12+s10+$0x0], $0xffff  }
0x161: {  	[tilespmem:s24+$0xFFFFFE00] =	vst v16;
	v16 =	vadd.s32 s12, v1;
	v23 =	vld.idx.msk [tilespmem:v23+s10+$0x0], $0xffff  }
0x162: {  	v30 =	vadd.s32 s21, v1;
	[tilespmem:s24+$0x180] =	vst v21;
	v21 =	vadd.s32 s20, v6;
	v15 =	vld.idx.msk [tilespmem:v15+s10+$0x0], $0xffff  }
0x163: {  	v31 =	vadd.s32 s5, v1;
	v12 =	vadd.s32 s9, v2;
	v17 =	vld.idx.msk [tilespmem:v17+s10+$0x0], $0xffff;
	[tilespmem:s0+$0xFFFFFF40] =	vst v9  }
0x164: {  	v32 =	vadd.s32 s11, v1;
	v26 =	vld.idx.msk [tilespmem:v26+s10+$0x0], $0xffff;
	[tilespmem:s0+$0x1D0] =	vst v10  }
0x165: {  	v33 =	vadd.s32 s19, v2;
	v19 =	vld.idx.msk [tilespmem:v19+s10+$0x0], $0xffff;
	[tilespmem:s0+$0xB0] =	vst v11;
	v11 =	vadd.s32 s18, v4  }
0x166: {  	v14 =	vadd.s32 s17, v2;
	v18 =	vld.idx.msk [tilespmem:v18+s10+$0x0], $0xffff;
	[tilespmem:s0+$0xFFFFFEB0] =	vst v29  }
0x167: {  	v29 =	vadd.s32 s14, v2;
	v24 =	vld.idx.msk [tilespmem:v24+s10+$0x0], $0xffff;
	[tilespmem:s0+$0xFFFFFFD0] =	vst v27;
	v27 =	vadd.s32 s22, v4  }
0x168: {  	v9 =	vadd.s32 s12, v2;
	v21 =	vld.idx.msk [tilespmem:v21+s10+$0x0], $0xffff;
	[tilespmem:s0+$0x40] =	vst v15  }
0x169: {  	v15 =	vadd.s32 s21, v2;
	[tilespmem:s24+$0xFFFFFE80] =	vst v17;
	v17 =	vld.idx.msk [tilespmem:v28+s10+$0x0], $0xffff;
	v28 =	vadd.s32 s28, v4  }
0x16a: {  	v34 =	vadd.s32 s20, v7;
	s20 =	smov.u32 s21;
	v10 =	vadd.s32 s5, v2;
	v35 =	vld.idx.msk [tilespmem:v11+s10+$0x0], $0xffff;
	[tilespmem:s0+$0x130] =	vst v8  }
0x16b: {  	v36 =	vadd.s32 s11, v2;
	v16 =	vld.idx.msk [tilespmem:v16+s10+$0x0], $0xffff;
	[tilespmem:s24+$0x80] =	vst v19  }
0x16c: {  	[tilespmem:s24+$0xFFFFFF00] =	vst v18;
	v18 =	vld.idx.msk [tilespmem:v27+s10+$0x0], $0xffff  }
0x16d: {  	v8 =	vadd.s32 s19, v3;
	v19 =	vld.idx.msk [tilespmem:v32+s10+$0x0], $0xffff;
	[tilespmem:s0+$0xFFFFFE30] =	vst v23  }
0x16e: {  	v23 =	vld.idx.msk [tilespmem:v28+s10+$0x0], $0xffff;
	[tilespmem:s0+$0xFFFFFFE0] =	vst v21  }
0x16f: {  	v11 =	vadd.s32 s17, v3;
	v21 =	vadd.s32 s1, v5;
	[tilespmem:s24+$0xFFFFFF80] =	vst v24;
	v24 =	vld.idx.msk [tilespmem:v34+s10+$0x0], $0xffff  }
0x170: {  	v27 =	vld.idx.msk [tilespmem:v30+s10+$0x0], $0xffff;
	[tilespmem:s24+$0x0] =	vst v26;
	v26 =	vadd.s32 s22, v5  }
0x171: {  	[tilespmem:s24+$0xFFFFFE90] =	vst v16;
	v16 =	vld.idx.msk [tilespmem:v25+s10+$0x0], $0xffff  }
0x172: {  	v25 =	vld.idx.msk [tilespmem:v31+s10+$0x0], $0xffff;
	[tilespmem:s24+$0x190] =	vst v17  }
0x173: {  	[tilespmem:s24+$0xFFFFFF10] =	vst v19;
	v17 =	vld.idx.msk [tilespmem:v29+s10+$0x0], $0xffff;
	v19 =	vadd.s32 s30, v4  }
0x174: {  	v28 =	vadd.s32 s31, v5;
	v21 =	vld.idx.msk [tilespmem:v21+s10+$0x0], $0xffff;
	[tilespmem:s0+$0x140] =	vst v18  }
0x175: {  	[tilespmem:s0+$0xC0] =	vst v35;
	v18 =	vld.idx.msk [tilespmem:v26+s10+$0x0], $0xffff  }
0x176: {  	[tilespmem:s24+$0xFFFFFF90] =	vst v27;
	v13 =	vld.idx.msk [tilespmem:v13+s10+$0x0], $0xffff  }
0x177: {  	v26 =	vadd.s32 s18, v5;
	v20 =	vld.idx.msk [tilespmem:v20+s10+$0x0], $0xffff;
	[tilespmem:s24+$0x100] =	vst v16;
	v16 =	vadd.s32 s14, v3  }
0x178: {  	[tilespmem:s24+$0x90] =	vst v25;
	v19 =	vld.idx.msk [tilespmem:v19+s10+$0x0], $0xffff  }
0x179: {  	[tilespmem:s24+$0x1A0] =	vst v17;
	v17 =	vadd.s32 s28, v5;
	v25 =	vld.idx.msk [tilespmem:v28+s10+$0x0], $0xffff  }
0x17a: {  	v15 =	vld.idx.msk [tilespmem:v15+s10+$0x0], $0xffff;
	[tilespmem:s0+$0xFFFFFE40] =	vst v23;
	v23 =	vadd.s32 s30, v5  }
0x17b: {  	v22 =	vld.idx.msk [tilespmem:v22+s10+$0x0], $0xffff;
	[tilespmem:s0+$0x150] =	vst v18;
	v18 =	vadd.s32 s22, v6  }
0x17c: {  	v27 =	vadd.s32 s20, v3;
	[tilespmem:s0+$0xFFFFFF50] =	vst v21;
	v21 =	vld.idx.msk [tilespmem:v26+s10+$0x0], $0xffff  }
0x17d: {  	[tilespmem:s24+$0xFFFFFE10] =	vst v20;
	v20 =	vld.idx.msk [tilespmem:v36+s10+$0x0], $0xffff  }
0x17e: {  	v17 =	vld.idx.msk [tilespmem:v17+s10+$0x0], $0xffff;
	[tilespmem:s0+$0xFFFFFEC0] =	vst v19  }
0x17f: {  	[tilespmem:s24+$0x10] =	vst v13;
	v19 =	vld.idx.msk [tilespmem:v23+s10+$0x0], $0xffff;
	v23 =	vadd.s32 s29, v6  }
0x180: {  	[tilespmem:s24+$0xFFFFFFA0] =	vst v15;
	v15 =	vadd.s32 s18, v6;
	v18 =	vld.idx.msk [tilespmem:v18+s10+$0x0], $0xffff  }
0x181: {  	v26 =	vld.idx.msk [tilespmem:v27+s10+$0x0], $0xffff;
	[tilespmem:s24+$0x110] =	vst v22;
	v22 =	vadd.s32 s1, v6  }
0x182: {  	v27 =	vadd.s32 s30, v6;
	v16 =	vld.idx.msk [tilespmem:v16+s10+$0x0], $0xffff;
	[tilespmem:s0+$0xD0] =	vst v21  }
0x183: {  	v21 =	vadd.s32 s31, v6;
	v13 =	vld.idx.msk [tilespmem:v33+s10+$0x0], $0xffff;
	[tilespmem:s0+$0x50] =	vst v25  }
0x184: {  	[tilespmem:s0+$0xFFFFFE50] =	vst v17;
	v17 =	vadd.s32 s28, v6;
	v23 =	vld.idx.msk [tilespmem:v23+s10+$0x0], $0xffff  }
0x185: {  	v25 =	vadd.s32 s11, v3;
	[tilespmem:s0+$0xFFFFFED0] =	vst v19;
	v19 =	vld.idx.msk [tilespmem:v15+s10+$0x0], $0xffff  }
0x186: {  	[tilespmem:s24+$0xFFFFFF20] =	vst v20;
	v20 =	vld.idx.msk [tilespmem:v22+s10+$0x0], $0xffff;
	v22 =	vadd.s32 s22, v7;
	s22 =	smov.u32 s19  }
0x187: {  	[tilespmem:s24+$0xFFFFFFB0] =	vst v26;
	v26 =	vld.idx.msk [tilespmem:v27+s10+$0x0], $0xffff;
	v27 =	vadd.s32 s18, v7;
	s18 =	smov.u32 s5  }
0x188: {  	v21 =	vld.idx.msk [tilespmem:v21+s10+$0x0], $0xffff;
	[tilespmem:s0+$0x160] =	vst v18;
	v18 =	vadd.s32 s29, v7;
	s29 =	smov.u32 s14  }
0x189: {  	[tilespmem:s24+$0x1B0] =	vst v16;
	v16 =	vld.idx.msk [tilespmem:v17+s10+$0x0], $0xffff;
	v17 =	vadd.s32 s30, v7;
	s30 =	smov.u32 s12  }
0x18a: {  	v15 =	vld.idx.msk [tilespmem:v25+s10+$0x0], $0xffff;
	v25 =	vadd.s32 s31, v7;
	[tilespmem:s0+$0x1E0] =	vst v23;
	s31 =	smov.u32 s17  }
0x18b: {  	v23 =	vadd.s32 s1, v7;
	s1 =	smov.u32 s11;
	[tilespmem:s0+$0xE0] =	vst v19;
	v22 =	vld.idx.msk [tilespmem:v22+s10+$0x0], $0xffff  }
0x18c: {  	v28 =	vadd.s32 s28, v7;
	s28 =	smov.u32 s9;
	[tilespmem:s0+$0xFFFFFFF0] =	vst v24;
	v24 =	vld.idx.msk [tilespmem:v27+s10+$0x0], $0xffff  }
0x18d: {  	v27 =	vadd.s32 s20, v4;
	[tilespmem:s0+$0xFFFFFEE0] =	vst v26;
	v26 =	vld.idx.msk [tilespmem:v18+s10+$0x0], $0xffff  }
0x18e: {  	v29 =	vld.idx.msk [tilespmem:v17+s10+$0x0], $0xffff;
	[tilespmem:s0+$0x60] =	vst v21  }
0x18f: {  	[tilespmem:s0+$0xFFFFFF60] =	vst v20;
	v20 =	vld.idx.msk [tilespmem:v25+s10+$0x0], $0xffff  }
.Ltmp1:
0x190: {  	v21 =	vadd.s32 s29, v4;
	[tilespmem:s0+$0xFFFFFE60] =	vst v16;
	v19 =	vld.idx.msk [tilespmem:v23+s10+$0x0], $0xffff;
	(pc) =	sbr.rel @p2 .LBB2_4-.Ltmp1, $4  }
0x191: {  	v18 =	vld.idx.msk [tilespmem:v28+s10+$0x0], $0xffff;
	[tilespmem:s0+$0x170] =	vst v22  }
0x192: {  	v17 =	vld.idx.msk [tilespmem:v27+s10+$0x0], $0xffff;
	[tilespmem:s0+$0xF0] =	vst v24  }
0x193: {  	v16 =	vld.idx.msk [tilespmem:v14+s10+$0x0], $0xffff;
	[tilespmem:s0+$0x1F0] =	vst v26  }
0x194: {  	s23 =	smov.u32 s8;
	v14 =	vadd.s32 s20, v5;
	v12 =	vld.idx.msk [tilespmem:v12+s10+$0x0], $0xffff;
	[tilespmem:s0+$0xFFFFFEF0] =	vst v29  }
0x195: {  	_ =	sdelay $0x1  }
0x196: {  	[tilespmem:s0+$0x70] =	vst v20  }
0x197: {  	[tilespmem:s0+$0xFFFFFF70] =	vst v19  }
0x198: {  	v19 =	vld.idx.msk [tilespmem:v21+s10+$0x0], $0xffff;
	[tilespmem:s6+$0x120] =	vst v13  }
0x199: {  	v10 =	vld.idx.msk [tilespmem:v10+s10+$0x0], $0xffff;
	[tilespmem:s6+$0xFFFFFF30] =	vst v15  }
0x19a: {  	v9 =	vld.idx.msk [tilespmem:v9+s10+$0x0], $0xffff;
	v13 =	vadd.s32 s18, v3;
	[tilespmem:s6+$0xFFFFFFC0] =	vst v17  }
0x19b: {  	[tilespmem:s6+$0x20] =	vst v16;
	v16 =	vadd.s32 s29, v5  }
0x19c: {  	v15 =	vadd.s32 s30, v3;
	v8 =	vld.idx.msk [tilespmem:v8+s10+$0x0], $0xffff;
	[tilespmem:s6+$0xFFFFFE20] =	vst v12  }
0x19d: {  	v20 =	vadd.s32 s1, v4;
	v11 =	vld.idx.msk [tilespmem:v11+s10+$0x0], $0xffff;
	[tilespmem:s6+$0x1C0] =	vst v19  }
0x19e: {  	v14 =	vld.idx.msk [tilespmem:v14+s10+$0x0], $0xffff;
	v12 =	vadd.s32 s28, v3;
	[tilespmem:s6+$0xA0] =	vst v10  }
0x19f: {  	[tilespmem:s6+$0xFFFFFEA0] =	vst v9;
	v9 =	vadd.s32 s31, v4;
	v13 =	vld.idx.msk [tilespmem:v13+s10+$0x0], $0xffff  }
0x1a0: {  	[tilespmem:s0+$0xFFFFFE70] =	vst v18;
	v10 =	vld.idx.msk [tilespmem:v16+s10+$0x0], $0xffff;
	v16 =	vadd.s32 s22, v4  }
0x1a1: {  	v18 =	vadd.s32 s20, v6;
	v15 =	vld.idx.msk [tilespmem:v15+s10+$0x0], $0xffff;
	[tilespmem:s6+$0x130] =	vst v8  }
0x1a2: {  	v17 =	vld.idx.msk [tilespmem:v20+s10+$0x0], $0xffff;
	[tilespmem:s6+$0x30] =	vst v11;
	v11 =	vadd.s32 s18, v4  }
0x1a3: {  	v8 =	vadd.s32 s30, v4;
	[tilespmem:s6+$0xFFFFFFD0] =	vst v14;
	v12 =	vld.idx.msk [tilespmem:v12+s10+$0x0], $0xffff  }
0x1a4: {  	v14 =	vadd.s32 s1, v5;
	v9 =	vld.idx.msk [tilespmem:v9+s10+$0x0], $0xffff;
	[tilespmem:s6+$0xB0] =	vst v13  }
0x1a5: {  	[tilespmem:s6+$0x1D0] =	vst v10;
	v10 =	vadd.s32 s28, v4;
	v16 =	vld.idx.msk [tilespmem:v16+s10+$0x0], $0xffff  }
0x1a6: {  	v13 =	vadd.s32 s22, v5;
	[tilespmem:s6+$0xFFFFFEB0] =	vst v15;
	v15 =	vld.idx.msk [tilespmem:v18+s10+$0x0], $0xffff  }
0x1a7: {  	[tilespmem:s6+$0xFFFFFF40] =	vst v17;
	v11 =	vld.idx.msk [tilespmem:v11+s10+$0x0], $0xffff  }
0x1a8: {  	v17 =	vadd.s32 s18, v5;
	v8 =	vld.idx.msk [tilespmem:v8+s10+$0x0], $0xffff;
	[tilespmem:s6+$0xFFFFFE30] =	vst v12  }
0x1a9: {  	v14 =	vld.idx.msk [tilespmem:v14+s10+$0x0], $0xffff;
	v12 =	vadd.s32 s31, v5;
	[tilespmem:s6+$0x40] =	vst v9  }
0x1aa: {  	v10 =	vld.idx.msk [tilespmem:v10+s10+$0x0], $0xffff;
	[tilespmem:s6+$0x140] =	vst v16;
	v16 =	vadd.s32 s30, v5  }
0x1ab: {  	[tilespmem:s6+$0xFFFFFFE0] =	vst v15;
	v9 =	vld.idx.msk [tilespmem:v13+s10+$0x0], $0xffff;
	v13 =	vadd.s32 s28, v5  }
0x1ac: {  	[tilespmem:s6+$0xC0] =	vst v11;
	v11 =	vadd.s32 s22, v6  }
0x1ad: {  	[tilespmem:s6+$0xFFFFFEC0] =	vst v8;
	v15 =	vld.idx.msk [tilespmem:v17+s10+$0x0], $0xffff;
	v17 =	vadd.s32 s29, v6  }
0x1ae: {  	v18 =	vadd.s32 s20, v7;
	[tilespmem:s6+$0xFFFFFF50] =	vst v14;
	v12 =	vld.idx.msk [tilespmem:v12+s10+$0x0], $0xffff  }
0x1af: {  	v14 =	vadd.s32 s31, v6;
	[tilespmem:s6+$0xFFFFFE40] =	vst v10;
	v10 =	vld.idx.msk [tilespmem:v16+s10+$0x0], $0xffff  }
0x1b0: {  	v8 =	vadd.s32 s18, v6;
	[tilespmem:s6+$0x150] =	vst v9;
	v9 =	vld.idx.msk [tilespmem:v13+s10+$0x0], $0xffff  }
0x1b1: {  	v13 =	vadd.s32 s30, v6;
	v11 =	vld.idx.msk [tilespmem:v11+s10+$0x0], $0xffff  }
0x1b2: {  	[tilespmem:s6+$0xD0] =	vst v15;
	v15 =	vld.idx.msk [tilespmem:v17+s10+$0x0], $0xffff  }
0x1b3: {  	v16 =	vadd.s32 s1, v6;
	[tilespmem:s6+$0x50] =	vst v12;
	v17 =	vld.idx.msk [tilespmem:v18+s10+$0x0], $0xffff  }
0x1b4: {  	v12 =	vadd.s32 s28, v6;
	v14 =	vld.idx.msk [tilespmem:v14+s10+$0x0], $0xffff  }
0x1b5: {  	v8 =	vld.idx.msk [tilespmem:v8+s10+$0x0], $0xffff;
	[tilespmem:s6+$0xFFFFFED0] =	vst v10;
	v10 =	vadd.s32 s22, v7  }
0x1b6: {  	[tilespmem:s6+$0xFFFFFE50] =	vst v9;
	v9 =	vld.idx.msk [tilespmem:v13+s10+$0x0], $0xffff;
	v13 =	vadd.s32 s18, v7  }
0x1b7: {  	[tilespmem:s6+$0x160] =	vst v11;
	v11 =	vadd.s32 s29, v7  }
0x1b8: {  	v18 =	vadd.s32 s30, v7;
	v16 =	vld.idx.msk [tilespmem:v16+s10+$0x0], $0xffff;
	[tilespmem:s6+$0x1E0] =	vst v15  }
0x1b9: {  	v12 =	vld.idx.msk [tilespmem:v12+s10+$0x0], $0xffff;
	v15 =	vadd.s32 s31, v7;
	[tilespmem:s6+$0xFFFFFFF0] =	vst v17  }
0x1ba: {  	[tilespmem:s6+$0xE0] =	vst v8;
	v8 =	vadd.s32 s1, v7;
	v10 =	vld.idx.msk [tilespmem:v10+s10+$0x0], $0xffff  }
0x1bb: {  	v17 =	vadd.s32 s28, v7;
	[tilespmem:s6+$0x60] =	vst v14;
	v13 =	vld.idx.msk [tilespmem:v13+s10+$0x0], $0xffff  }
0x1bc: {  	[tilespmem:s6+$0xFFFFFEE0] =	vst v9;
	v9 =	vld.idx.msk [tilespmem:v11+s10+$0x0], $0xffff  }
0x1bd: {  	[tilespmem:s6+$0xFFFFFF60] =	vst v16;
	v11 =	vld.idx.msk [tilespmem:v18+s10+$0x0], $0xffff  }
0x1be: {  	v14 =	vld.idx.msk [tilespmem:v15+s10+$0x0], $0xffff;
	[tilespmem:s6+$0xFFFFFE60] =	vst v12  }
0x1bf: {  	v8 =	vld.idx.msk [tilespmem:v8+s10+$0x0], $0xffff;
	[tilespmem:s6+$0x170] =	vst v10  }
0x1c0: {  	v10 =	vld.idx.msk [tilespmem:v17+s10+$0x0], $0xffff;
	[tilespmem:s6+$0xF0] =	vst v13  }
0x1c1: {  	[tilespmem:s6+$0x1F0] =	vst v9  }
0x1c2: {  	[tilespmem:s6+$0xFFFFFEF0] =	vst v11  }
0x1c3: {  	[tilespmem:s6+$0x70] =	vst v14  }
0x1c4: {  	s12 =	sshll.u32 s15, $0x4;
	[tilespmem:s6+$0xFFFFFF70] =	vst v8  }
0x1c5: {  	s14 =	simm.s32 $0xC880;
	s0 =	sadd.s32 s3, s12;
	[tilespmem:s6+$0xFFFFFE70] =	vst v10  }
0x1c6: {  	[hbm4b:s0+s4] =	stream.linear.scatter [tilespmem:s14], [sflag:$0x6], $0x2800, $0x38;
	[tilespmem:$0x14080] =	vst v63  }
0x1c7: {  	s0 =	rddreg [dreg:$0x7]  }
0x1c8: {  	s0 =	sadd.s32 @!p1 s26, s0  }
0x1c9: {  	s5 =	simm.s32 @!p1 $0x2880;
	s0 =	sshll.u32 @!p1 s0, $0x4  }
0x1ca: {  	s15 =	simm.s32 $0x3;
	s1 =	simm.s32 @!p1 $0x0;
	s0 =	sadd.s32 @!p1 s2, s0  }
0x1cb: {  	[tilespmem:s5], [sflag:$0x2] =	stream.linear.gather @!p1 [hbm4b:s0+s1], $0x2800, $0x38;
	[tilespmem:$0x14080] =	vst v63  }
0x1cc: {  	s17 =	simm.s32 $0x180;
	_ =	swait.ge [sflag:s15], $0x2800  }
0x1cd: {  	s8 =	simm.s32 $0x100;
	v8 =	vadd.s32 s17, v0;
	[sflag:s15] =	ssyncset.done $0x0  }
0x1ce: {  	v12 =	vadd.s32 s8, v0;
	s0 =	simm.s32 @!p0 $0x7;
	[sflag:s15] =	ssyncadd.s32 $0xFFFFD800  }
0x1cf: {  	s21 =	simm.s32 $0x380;
	_ =	swait.ge @!p0 [sflag:s0], $0x2800  }
0x1d0: {  	s19 =	simm.s32 $0x0;
	v10 =	vadd.s32 s21, v0;
	[sflag:s0] =	ssyncset.done @!p0 $0x0  }
0x1d1: {  	s9 =	simm.s32 $0x80;
	v9 =	vadd.s32 s19, v0;
	[sflag:s0] =	ssyncadd.s32 @!p0 $0xFFFFD800  }
0x1d2: {  	v11 =	vadd.s32 s9, v0;
	s14 =	simm.s32 $0x300;
	v8 =	vld.idx.msk [tilespmem:v8+s13+$0x0], $0xffff  }
0x1d3: {  	v17 =	vadd.s32 s14, v0;
	v12 =	vld.idx.msk [tilespmem:v12+s13+$0x0], $0xffff  }
0x1d4: {  	s12 =	simm.s32 $0x280;
	v13 =	vadd.s32 s17, v1  }
0x1d5: {  	s11 =	simm.s32 $0x200;
	v15 =	vadd.s32 s12, v0;
	v10 =	vld.idx.msk [tilespmem:v10+s13+$0x0], $0xffff  }
0x1d6: {  	v14 =	vadd.s32 s11, v0;
	s0 =	simm.s32 $0xF280;
	v9 =	vld.idx.msk [tilespmem:v9+s13+$0x0], $0xffff  }
0x1d7: {  	v16 =	vadd.s32 s21, v1;
	v11 =	vld.idx.msk [tilespmem:v11+s13+$0x0], $0xffff;
	[tilespmem:s0+$0xFFFFFF80] =	vst v8  }
0x1d8: {  	v8 =	vadd.s32 s8, v1;
	[tilespmem:s0+$0xFFFFFF00] =	vst v12;
	v12 =	vld.idx.msk [tilespmem:v17+s13+$0x0], $0xffff  }
0x1d9: {  	v17 =	vadd.s32 s14, v1;
	v13 =	vld.idx.msk [tilespmem:v13+s13+$0x0], $0xffff  }
0x1da: {  	v18 =	vadd.s32 s17, v2;
	[tilespmem:s0+$0x180] =	vst v10;
	v10 =	vld.idx.msk [tilespmem:v15+s13+$0x0], $0xffff  }
0x1db: {  	v14 =	vld.idx.msk [tilespmem:v14+s13+$0x0], $0xffff;
	v15 =	vadd.s32 s12, v1  }
0x1dc: {  	v19 =	vadd.s32 s9, v1;
	[tilespmem:s0+$0xFFFFFE80] =	vst v11;
	v16 =	vld.idx.msk [tilespmem:v16+s13+$0x0], $0xffff  }
0x1dd: {  	v20 =	vadd.s32 s21, v2;
	v8 =	vld.idx.msk [tilespmem:v8+s13+$0x0], $0xffff;
	[tilespmem:s0+$0x100] =	vst v12  }
0x1de: {  	v11 =	vadd.s32 s8, v2;
	[tilespmem:s0+$0xFFFFFF90] =	vst v13;
	v12 =	vld.idx.msk [tilespmem:v17+s13+$0x0], $0xffff  }
0x1df: {  	[tilespmem:s0+$0x80] =	vst v10;
	v17 =	vadd.s32 s14, v2;
	v13 =	vld.idx.msk [tilespmem:v18+s13+$0x0], $0xffff  }
0x1e0: {  	[tilespmem:s0+$0x0] =	vst v14;
	v10 =	vadd.s32 s17, v3;
	v15 =	vld.idx.msk [tilespmem:v15+s13+$0x0], $0xffff  }
0x1e1: {  	[tilespmem:s0+$0x190] =	vst v16;
	v18 =	vld.idx.msk [tilespmem:v19+s13+$0x0], $0xffff;
	v19 =	vadd.s32 s11, v1  }
0x1e2: {  	v16 =	vadd.s32 s19, v1;
	v20 =	vld.idx.msk [tilespmem:v20+s13+$0x0], $0xffff;
	[tilespmem:s0+$0xFFFFFF10] =	vst v8  }
0x1e3: {  	v8 =	vadd.s32 s21, v3;
	v11 =	vld.idx.msk [tilespmem:v11+s13+$0x0], $0xffff;
	[tilespmem:s0+$0x110] =	vst v12  }
0x1e4: {  	[tilespmem:s0+$0xFFFFFFA0] =	vst v13;
	v12 =	vld.idx.msk [tilespmem:v17+s13+$0x0], $0xffff;
	v17 =	vadd.s32 s9, v2  }
0x1e5: {  	[tilespmem:s0+$0xFFFFFE00] =	vst v9;
	v13 =	vadd.s32 s8, v3;
	v10 =	vld.idx.msk [tilespmem:v10+s13+$0x0], $0xffff  }
0x1e6: {  	v14 =	vadd.s32 s17, v4;
	[tilespmem:s0+$0x90] =	vst v15;
	v9 =	vld.idx.msk [tilespmem:v19+s13+$0x0], $0xffff  }
0x1e7: {  	s29 =	simm.s32 $0x780;
	v16 =	vld.idx.msk [tilespmem:v16+s13+$0x0], $0xffff;
	v19 =	vadd.s32 s11, v2;
	[tilespmem:s0+$0x1A0] =	vst v20  }
0x1e8: {  	[tilespmem:s0+$0xFFFFFE90] =	vst v18;
	v18 =	vadd.s32 s29, v0;
	v8 =	vld.idx.msk [tilespmem:v8+s13+$0x0], $0xffff  }
0x1e9: {  	v20 =	vadd.s32 s19, v2;
	[tilespmem:s0+$0xFFFFFF20] =	vst v11;
	v17 =	vld.idx.msk [tilespmem:v17+s13+$0x0], $0xffff  }
0x1ea: {  	v11 =	vadd.s32 s21, v4;
	[tilespmem:s0+$0xFFFFFFB0] =	vst v10;
	v10 =	vld.idx.msk [tilespmem:v13+s13+$0x0], $0xffff  }
0x1eb: {  	[tilespmem:s0+$0x10] =	vst v9;
	v13 =	vadd.s32 s12, v2;
	v9 =	vld.idx.msk [tilespmem:v14+s13+$0x0], $0xffff  }
0x1ec: {  	[tilespmem:s0+$0xFFFFFE10] =	vst v16;
	v16 =	vadd.s32 s17, v5;
	v14 =	vld.idx.msk [tilespmem:v19+s13+$0x0], $0xffff  }
0x1ed: {  	[tilespmem:s0+$0x120] =	vst v12;
	v18 =	vld.idx.msk [tilespmem:v18+s13+$0x0], $0xffff;
	v19 =	vadd.s32 s11, v3  }
0x1ee: {  	s28 =	simm.s32 $0x400;
	[tilespmem:s0+$0x1B0] =	vst v8;
	v8 =	vld.idx.msk [tilespmem:v20+s13+$0x0], $0xffff;
	v20 =	vadd.s32 s14, v3  }
0x1ef: {  	v15 =	vadd.s32 s28, v0;
	v11 =	vld.idx.msk [tilespmem:v11+s13+$0x0], $0xffff;
	[tilespmem:s0+$0xFFFFFF30] =	vst v10  }
0x1f0: {  	s30 =	simm.s32 $0x480;
	v12 =	vadd.s32 s21, v5;
	v13 =	vld.idx.msk [tilespmem:v13+s13+$0x0], $0xffff;
	[tilespmem:s0+$0xFFFFFFC0] =	vst v9  }
0x1f1: {  	v10 =	vadd.s32 s30, v0;
	[tilespmem:s0+$0x20] =	vst v14;
	v16 =	vld.idx.msk [tilespmem:v16+s13+$0x0], $0xffff  }
0x1f2: {  	v9 =	vadd.s32 s8, v4;
	v14 =	vld.idx.msk [tilespmem:v19+s13+$0x0], $0xffff  }
0x1f3: {  	[tilespmem:s0+$0xFFFFFEA0] =	vst v17;
	v19 =	vadd.s32 s12, v3;
	v20 =	vld.idx.msk [tilespmem:v20+s13+$0x0], $0xffff  }
0x1f4: {  	s24 =	simm.s32 $0xF680;
	[tilespmem:s0+$0x1C0] =	vst v11;
	v11 =	vld.idx.msk [tilespmem:v15+s13+$0x0], $0xffff;
	v15 =	vadd.s32 s9, v3  }
0x1f5: {  	v21 =	vadd.s32 s19, v3;
	[tilespmem:s24+$0x180] =	vst v18;
	v12 =	vld.idx.msk [tilespmem:v12+s13+$0x0], $0xffff  }
0x1f6: {  	s31 =	simm.s32 $0x600;
	v18 =	vadd.s32 s17, v6;
	[tilespmem:s0+$0xFFFFFE20] =	vst v8;
	v10 =	vld.idx.msk [tilespmem:v10+s13+$0x0], $0xffff  }
0x1f7: {  	[tilespmem:s0+$0xA0] =	vst v13;
	v13 =	vadd.s32 s31, v0;
	v8 =	vld.idx.msk [tilespmem:v9+s13+$0x0], $0xffff  }
0x1f8: {  	s18 =	simm.s32 $0x680;
	v9 =	vadd.s32 s11, v4;
	v17 =	vld.idx.msk [tilespmem:v19+s13+$0x0], $0xffff;
	[tilespmem:s0+$0x30] =	vst v14  }
0x1f9: {  	s1 =	simm.s32 $0x500;
	v19 =	vadd.s32 s18, v0;
	[tilespmem:s0+$0xFFFFFFD0] =	vst v16;
	v14 =	vld.idx.msk [tilespmem:v15+s13+$0x0], $0xffff  }
0x1fa: {  	s20 =	simm.s32 $0x580;
	v15 =	vadd.s32 s1, v0;
	[tilespmem:s24+$0xFFFFFE00] =	vst v11;
	v11 =	vld.idx.msk [tilespmem:v21+s13+$0x0], $0xffff  }
0x1fb: {  	v21 =	vadd.s32 s20, v0;
	v18 =	vld.idx.msk [tilespmem:v18+s13+$0x0], $0xffff;
	[tilespmem:s0+$0x1D0] =	vst v12  }
0x1fc: {  	v13 =	vld.idx.msk [tilespmem:v13+s13+$0x0], $0xffff;
	[tilespmem:s24+$0xFFFFFE80] =	vst v10;
	v10 =	vadd.s32 s17, v7  }
0x1fd: {  	v9 =	vld.idx.msk [tilespmem:v9+s13+$0x0], $0xffff;
	[tilespmem:s0+$0xFFFFFF40] =	vst v8;
	v8 =	vadd.s32 s29, v1  }
0x1fe: {  	v12 =	vld.idx.msk [tilespmem:v19+s13+$0x0], $0xffff;
	[tilespmem:s0+$0xB0] =	vst v17;
	v17 =	vadd.s32 s12, v4  }
0x1ff: {  	v19 =	vadd.s32 s30, v1;
	v15 =	vld.idx.msk [tilespmem:v15+s13+$0x0], $0xffff;
	[tilespmem:s0+$0xFFFFFEB0] =	vst v14  }
0x200: {  	v16 =	vadd.s32 s14, v4;
	v14 =	vld.idx.msk [tilespmem:v21+s13+$0x0], $0xffff;
	[tilespmem:s0+$0xFFFFFFE0] =	vst v18  }
0x201: {  	[tilespmem:s0+$0x130] =	vst v20;
	v21 =	vadd.s32 s1, v1;
	v10 =	vld.idx.msk [tilespmem:v10+s13+$0x0], $0xffff  }
0x202: {  	v20 =	vadd.s32 s20, v1;
	[tilespmem:s0+$0xFFFFFE30] =	vst v11;
	v8 =	vld.idx.msk [tilespmem:v8+s13+$0x0], $0xffff  }
0x203: {  	s22 =	simm.s32 $0x700;
	[tilespmem:s0+$0x40] =	vst v9;
	v9 =	vadd.s32 s19, v4;
	v17 =	vld.idx.msk [tilespmem:v17+s13+$0x0], $0xffff  }
0x204: {  	v19 =	vld.idx.msk [tilespmem:v19+s13+$0x0], $0xffff;
	[tilespmem:s24+$0x80] =	vst v12;
	v12 =	vadd.s32 s22, v0  }
0x205: {  	v11 =	vadd.s32 s29, v2;
	[tilespmem:s24+$0xFFFFFF00] =	vst v15;
	v15 =	vld.idx.msk [tilespmem:v16+s13+$0x0], $0xffff  }
0x206: {  	v16 =	vadd.s32 s18, v1;
	[tilespmem:s24+$0xFFFFFF80] =	vst v14;
	v21 =	vld.idx.msk [tilespmem:v21+s13+$0x0], $0xffff  }
0x207: {  	[tilespmem:s24+$0x0] =	vst v13;
	v14 =	vadd.s32 s8, v5;
	v18 =	vld.idx.msk [tilespmem:v20+s13+$0x0], $0xffff  }
0x208: {  	v13 =	vadd.s32 s14, v5;
	[tilespmem:s0+$0xFFFFFFF0] =	vst v10;
	v9 =	vld.idx.msk [tilespmem:v9+s13+$0x0], $0xffff  }
0x209: {  	v20 =	vadd.s32 s31, v1;
	[tilespmem:s24+$0x190] =	vst v8;
	v12 =	vld.idx.msk [tilespmem:v12+s13+$0x0], $0xffff  }
0x20a: {  	[tilespmem:s24+$0xFFFFFE90] =	vst v19;
	v19 =	vadd.s32 s28, v1;
	v8 =	vld.idx.msk [tilespmem:v11+s13+$0x0], $0xffff  }
0x20b: {  	v11 =	vadd.s32 s9, v4;
	[tilespmem:s0+$0xC0] =	vst v17;
	v16 =	vld.idx.msk [tilespmem:v16+s13+$0x0], $0xffff  }
0x20c: {  	v14 =	vld.idx.msk [tilespmem:v14+s13+$0x0], $0xffff;
	[tilespmem:s0+$0x140] =	vst v15;
	v15 =	vadd.s32 s20, v2  }
0x20d: {  	v17 =	vadd.s32 s22, v1;
	[tilespmem:s24+$0xFFFFFF10] =	vst v21;
	v13 =	vld.idx.msk [tilespmem:v13+s13+$0x0], $0xffff  }
0x20e: {  	v21 =	vadd.s32 s11, v5;
	[tilespmem:s24+$0xFFFFFF90] =	vst v18;
	v18 =	vld.idx.msk [tilespmem:v20+s13+$0x0], $0xffff  }
0x20f: {  	v19 =	vld.idx.msk [tilespmem:v19+s13+$0x0], $0xffff;
	[tilespmem:s24+$0x100] =	vst v12;
	v12 =	vadd.s32 s12, v5  }
0x210: {  	v20 =	vadd.s32 s1, v2;
	[tilespmem:s0+$0xFFFFFE40] =	vst v9;
	v11 =	vld.idx.msk [tilespmem:v11+s13+$0x0], $0xffff  }
0x211: {  	[tilespmem:s24+$0x1A0] =	vst v8;
	v8 =	vadd.s32 s19, v5;
	v15 =	vld.idx.msk [tilespmem:v15+s13+$0x0], $0xffff  }
0x212: {  	v9 =	vadd.s32 s9, v5;
	[tilespmem:s24+$0x90] =	vst v16;
	v17 =	vld.idx.msk [tilespmem:v17+s13+$0x0], $0xffff  }
0x213: {  	[tilespmem:s0+$0xFFFFFF50] =	vst v14;
	v14 =	vadd.s32 s29, v3;
	v16 =	vld.idx.msk [tilespmem:v21+s13+$0x0], $0xffff  }
0x214: {  	[tilespmem:s0+$0x150] =	vst v13;
	v13 =	vadd.s32 s14, v6;
	v12 =	vld.idx.msk [tilespmem:v12+s13+$0x0], $0xffff  }
0x215: {  	v21 =	vadd.s32 s20, v3;
	[tilespmem:s24+$0xFFFFFE10] =	vst v19;
	v19 =	vld.idx.msk [tilespmem:v20+s13+$0x0], $0xffff  }
0x216: {  	v20 =	vadd.s32 s22, v2;
	v8 =	vld.idx.msk [tilespmem:v8+s13+$0x0], $0xffff;
	[tilespmem:s0+$0xFFFFFEC0] =	vst v11  }
0x217: {  	[tilespmem:s24+$0x10] =	vst v18;
	v11 =	vadd.s32 s21, v6;
	v9 =	vld.idx.msk [tilespmem:v9+s13+$0x0], $0xffff  }
0x218: {  	[tilespmem:s24+$0xFFFFFFA0] =	vst v15;
	v15 =	vadd.s32 s12, v6;
	v14 =	vld.idx.msk [tilespmem:v14+s13+$0x0], $0xffff  }
0x219: {  	[tilespmem:s24+$0x110] =	vst v17;
	v17 =	vadd.s32 s8, v6;
	v18 =	vld.idx.msk [tilespmem:v13+s13+$0x0], $0xffff  }
0x21a: {  	v22 =	vadd.s32 s9, v6;
	v21 =	vld.idx.msk [tilespmem:v21+s13+$0x0], $0xffff;
	[tilespmem:s0+$0x50] =	vst v16  }
0x21b: {  	v16 =	vadd.s32 s1, v3;
	[tilespmem:s0+$0xD0] =	vst v12;
	v13 =	vld.idx.msk [tilespmem:v20+s13+$0x0], $0xffff  }
0x21c: {  	v12 =	vadd.s32 s11, v6;
	[tilespmem:s0+$0xFFFFFE50] =	vst v8;
	v11 =	vld.idx.msk [tilespmem:v11+s13+$0x0], $0xffff  }
0x21d: {  	v8 =	vadd.s32 s19, v6;
	[tilespmem:s0+$0xFFFFFED0] =	vst v9;
	v9 =	vld.idx.msk [tilespmem:v15+s13+$0x0], $0xffff  }
0x21e: {  	v20 =	vadd.s32 s14, v7;
	[tilespmem:s24+$0xFFFFFF20] =	vst v19;
	v17 =	vld.idx.msk [tilespmem:v17+s13+$0x0], $0xffff  }
0x21f: {  	[tilespmem:s24+$0xFFFFFFB0] =	vst v21;
	v21 =	vld.idx.msk [tilespmem:v22+s13+$0x0], $0xffff;
	v22 =	vadd.s32 s21, v7  }
0x220: {  	v19 =	vadd.s32 s12, v7;
	[tilespmem:s24+$0x1B0] =	vst v14;
	v15 =	vld.idx.msk [tilespmem:v16+s13+$0x0], $0xffff  }
0x221: {  	v24 =	vadd.s32 s20, v4;
	[tilespmem:s0+$0x160] =	vst v18;
	v12 =	vld.idx.msk [tilespmem:v12+s13+$0x0], $0xffff  }
0x222: {  	v18 =	vadd.s32 s9, v7;
	v8 =	vld.idx.msk [tilespmem:v8+s13+$0x0], $0xffff;
	[tilespmem:s0+$0x1E0] =	vst v11  }
0x223: {  	v11 =	vadd.s32 s8, v7;
	[tilespmem:s0+$0xE0] =	vst v9;
	v9 =	vld.idx.msk [tilespmem:v20+s13+$0x0], $0xffff  }
0x224: {  	v14 =	vadd.s32 s11, v7;
	[tilespmem:s0+$0xFFFFFEE0] =	vst v21;
	v21 =	vld.idx.msk [tilespmem:v22+s13+$0x0], $0xffff  }
0x225: {  	v16 =	vadd.s32 s19, v7;
	[tilespmem:s0+$0xFFFFFF60] =	vst v17;
	v23 =	vld.idx.msk [tilespmem:v19+s13+$0x0], $0xffff  }
0x226: {  	v17 =	vld.idx.msk [tilespmem:v24+s13+$0x0], $0xffff;
	v22 =	vadd.s32 s31, v2;
	[tilespmem:s0+$0x60] =	vst v12  }
0x227: {  	v25 =	vld.idx.msk [tilespmem:v18+s13+$0x0], $0xffff;
	v12 =	vadd.s32 s28, v2;
	[tilespmem:s0+$0xFFFFFE60] =	vst v8  }
0x228: {  	v19 =	vld.idx.msk [tilespmem:v11+s13+$0x0], $0xffff;
	[tilespmem:s0+$0x170] =	vst v9  }
0x229: {  	v20 =	vld.idx.msk [tilespmem:v14+s13+$0x0], $0xffff;
	[tilespmem:s0+$0x1F0] =	vst v21;
	v21 =	vadd.s32 s29, v4  }
0x22a: {  	v18 =	vld.idx.msk [tilespmem:v16+s13+$0x0], $0xffff;
	v9 =	vadd.s32 s30, v2;
	[tilespmem:s0+$0xF0] =	vst v23  }
0x22b: {  	v10 =	vadd.s32 s18, v2;
	v8 =	vadd.s32 s22, v3;
	v16 =	vld.idx.msk [tilespmem:v22+s13+$0x0], $0xffff;
	s23 =	rddreg [dreg:$0x8]  }
0x22c: {  	s6 =	simm.s32 $0xF680;
	v11 =	vadd.s32 s31, v3;
	v14 =	vadd.s32 s20, v5;
	[tilespmem:s0+$0xFFFFFEF0] =	vst v25;
	s15 =	sadd.s32 s26, s23;
	s23 =	simm.s32 $0x10;
	v12 =	vld.idx.msk [tilespmem:v12+s13+$0x0], $0xffff  }
.LBB2_6:
0x22d: {  	s9 =	sshll.u32 s23, $0x7  }
0x22e: {  	v21 =	vld.idx.msk [tilespmem:v21+s13+$0x0], $0xffff;
	s24 =	sadd.s32 $0x400, s24;
	[tilespmem:s0+$0x70] =	vst v20;
	s5 =	smov.u32 s23;
	s8 =	sadd.s32 $0x8, s23  }
0x22f: {  	v22 =	vadd.s32 s1, v4;
	v20 =	vadd.s32 s9, v0;
	s11 =	sadd.s32 $0x100, s9;
	s5 =	sadd.s32 $0x280, s9;
	s14 =	sadd.s32 $0x380, s9;
	v9 =	vld.idx.msk [tilespmem:v9+s13+$0x0], $0xffff;
	[tilespmem:s0+$0xFFFFFF70] =	vst v19  }
0x230: {  	s12 =	sadd.s32 $0x80, s9;
	s21 =	sadd.s32 $0x180, s9;
	s19 =	sadd.s32 $0x300, s9;
	v19 =	vadd.s32 s5, v0;
	v23 =	vadd.s32 s14, v0;
	v10 =	vld.idx.msk [tilespmem:v10+s13+$0x0], $0xffff;
	[tilespmem:s0+$0xFFFFFE70] =	vst v18  }
0x231: {  	p2 =	slt.u32 s23, $0x48;
	s17 =	sadd.s32 $0x200, s9;
	v18 =	vadd.s32 s11, v0;
	v24 =	vadd.s32 s21, v0;
	v25 =	vadd.s32 s19, v0;
	s0 =	smov.u32 s6;
	[tilespmem:s6+$0xFFFFFFC0] =	vst v17  }
0x232: {  	v26 =	vadd.s32 s17, v0;
	v17 =	vadd.s32 s12, v0;
	s6 =	smov.u32 s24;
	v27 =	vld.idx.msk [tilespmem:v14+s13+$0x0], $0xffff;
	[tilespmem:s0+$0x20] =	vst v16  }
0x233: {  	v11 =	vld.idx.msk [tilespmem:v11+s13+$0x0], $0xffff;
	[tilespmem:s0+$0x120] =	vst v13;
	v13 =	vadd.s32 s29, v5  }
0x234: {  	v14 =	vadd.s32 s18, v3;
	v8 =	vld.idx.msk [tilespmem:v8+s13+$0x0], $0xffff;
	[tilespmem:s0+$0x1C0] =	vst v21  }
0x235: {  	v16 =	vld.idx.msk [tilespmem:v20+s13+$0x0], $0xffff;
	[tilespmem:s0+$0xFFFFFE20] =	vst v12;
	v12 =	vadd.s32 s30, v3  }
0x236: {  	v20 =	vadd.s32 s9, v1;
	v21 =	vld.idx.msk [tilespmem:v23+s13+$0x0], $0xffff;
	v23 =	vadd.s32 s28, v3;
	[tilespmem:s0+$0xFFFFFF30] =	vst v15  }
0x237: {  	v15 =	vadd.s32 s31, v4;
	[tilespmem:s0+$0xFFFFFEA0] =	vst v9;
	v9 =	vld.idx.msk [tilespmem:v22+s13+$0x0], $0xffff  }
0x238: {  	v22 =	vadd.s32 s19, v1;
	[tilespmem:s0+$0xA0] =	vst v10;
	v10 =	vld.idx.msk [tilespmem:v13+s13+$0x0], $0xffff  }
0x239: {  	v13 =	vadd.s32 s17, v1;
	[tilespmem:s0+$0x30] =	vst v11;
	v11 =	vld.idx.msk [tilespmem:v14+s13+$0x0], $0xffff  }
0x23a: {  	v28 =	vadd.s32 s14, v1;
	v29 =	vld.idx.msk [tilespmem:v12+s13+$0x0], $0xffff  }
0x23b: {  	[tilespmem:s24+$0xFFFFFE00] =	vst v16;
	v16 =	vadd.s32 s12, v1;
	v23 =	vld.idx.msk [tilespmem:v23+s13+$0x0], $0xffff  }
0x23c: {  	v30 =	vadd.s32 s21, v1;
	[tilespmem:s24+$0x180] =	vst v21;
	v21 =	vadd.s32 s20, v6;
	v15 =	vld.idx.msk [tilespmem:v15+s13+$0x0], $0xffff  }
0x23d: {  	v31 =	vadd.s32 s5, v1;
	v12 =	vadd.s32 s9, v2;
	v17 =	vld.idx.msk [tilespmem:v17+s13+$0x0], $0xffff;
	[tilespmem:s0+$0xFFFFFF40] =	vst v9  }
0x23e: {  	v32 =	vadd.s32 s11, v1;
	v26 =	vld.idx.msk [tilespmem:v26+s13+$0x0], $0xffff;
	[tilespmem:s0+$0x1D0] =	vst v10  }
0x23f: {  	v33 =	vadd.s32 s19, v2;
	v19 =	vld.idx.msk [tilespmem:v19+s13+$0x0], $0xffff;
	[tilespmem:s0+$0xB0] =	vst v11;
	v11 =	vadd.s32 s18, v4  }
0x240: {  	v14 =	vadd.s32 s17, v2;
	v18 =	vld.idx.msk [tilespmem:v18+s13+$0x0], $0xffff;
	[tilespmem:s0+$0xFFFFFEB0] =	vst v29  }
0x241: {  	v29 =	vadd.s32 s14, v2;
	v24 =	vld.idx.msk [tilespmem:v24+s13+$0x0], $0xffff;
	[tilespmem:s0+$0xFFFFFFD0] =	vst v27;
	v27 =	vadd.s32 s22, v4  }
0x242: {  	v9 =	vadd.s32 s12, v2;
	v21 =	vld.idx.msk [tilespmem:v21+s13+$0x0], $0xffff;
	[tilespmem:s0+$0x40] =	vst v15  }
0x243: {  	v15 =	vadd.s32 s21, v2;
	[tilespmem:s24+$0xFFFFFE80] =	vst v17;
	v17 =	vld.idx.msk [tilespmem:v28+s13+$0x0], $0xffff;
	v28 =	vadd.s32 s28, v4  }
0x244: {  	v34 =	vadd.s32 s20, v7;
	s20 =	smov.u32 s21;
	v10 =	vadd.s32 s5, v2;
	v35 =	vld.idx.msk [tilespmem:v11+s13+$0x0], $0xffff;
	[tilespmem:s0+$0x130] =	vst v8  }
0x245: {  	v36 =	vadd.s32 s11, v2;
	v16 =	vld.idx.msk [tilespmem:v16+s13+$0x0], $0xffff;
	[tilespmem:s24+$0x80] =	vst v19  }
0x246: {  	[tilespmem:s24+$0xFFFFFF00] =	vst v18;
	v18 =	vld.idx.msk [tilespmem:v27+s13+$0x0], $0xffff  }
0x247: {  	v8 =	vadd.s32 s19, v3;
	v19 =	vld.idx.msk [tilespmem:v32+s13+$0x0], $0xffff;
	[tilespmem:s0+$0xFFFFFE30] =	vst v23  }
0x248: {  	v23 =	vld.idx.msk [tilespmem:v28+s13+$0x0], $0xffff;
	[tilespmem:s0+$0xFFFFFFE0] =	vst v21  }
0x249: {  	v11 =	vadd.s32 s17, v3;
	v21 =	vadd.s32 s1, v5;
	[tilespmem:s24+$0xFFFFFF80] =	vst v24;
	v24 =	vld.idx.msk [tilespmem:v34+s13+$0x0], $0xffff  }
0x24a: {  	v27 =	vld.idx.msk [tilespmem:v30+s13+$0x0], $0xffff;
	[tilespmem:s24+$0x0] =	vst v26;
	v26 =	vadd.s32 s22, v5  }
0x24b: {  	[tilespmem:s24+$0xFFFFFE90] =	vst v16;
	v16 =	vld.idx.msk [tilespmem:v25+s13+$0x0], $0xffff  }
0x24c: {  	v25 =	vld.idx.msk [tilespmem:v31+s13+$0x0], $0xffff;
	[tilespmem:s24+$0x190] =	vst v17  }
0x24d: {  	[tilespmem:s24+$0xFFFFFF10] =	vst v19;
	v17 =	vld.idx.msk [tilespmem:v29+s13+$0x0], $0xffff;
	v19 =	vadd.s32 s30, v4  }
0x24e: {  	v28 =	vadd.s32 s31, v5;
	v21 =	vld.idx.msk [tilespmem:v21+s13+$0x0], $0xffff;
	[tilespmem:s0+$0x140] =	vst v18  }
0x24f: {  	[tilespmem:s0+$0xC0] =	vst v35;
	v18 =	vld.idx.msk [tilespmem:v26+s13+$0x0], $0xffff  }
0x250: {  	[tilespmem:s24+$0xFFFFFF90] =	vst v27;
	v13 =	vld.idx.msk [tilespmem:v13+s13+$0x0], $0xffff  }
0x251: {  	v26 =	vadd.s32 s18, v5;
	v20 =	vld.idx.msk [tilespmem:v20+s13+$0x0], $0xffff;
	[tilespmem:s24+$0x100] =	vst v16;
	v16 =	vadd.s32 s14, v3  }
0x252: {  	[tilespmem:s24+$0x90] =	vst v25;
	v19 =	vld.idx.msk [tilespmem:v19+s13+$0x0], $0xffff  }
0x253: {  	[tilespmem:s24+$0x1A0] =	vst v17;
	v17 =	vadd.s32 s28, v5;
	v25 =	vld.idx.msk [tilespmem:v28+s13+$0x0], $0xffff  }
0x254: {  	v15 =	vld.idx.msk [tilespmem:v15+s13+$0x0], $0xffff;
	[tilespmem:s0+$0xFFFFFE40] =	vst v23;
	v23 =	vadd.s32 s30, v5  }
0x255: {  	v22 =	vld.idx.msk [tilespmem:v22+s13+$0x0], $0xffff;
	[tilespmem:s0+$0x150] =	vst v18;
	v18 =	vadd.s32 s22, v6  }
0x256: {  	v27 =	vadd.s32 s20, v3;
	[tilespmem:s0+$0xFFFFFF50] =	vst v21;
	v21 =	vld.idx.msk [tilespmem:v26+s13+$0x0], $0xffff  }
0x257: {  	[tilespmem:s24+$0xFFFFFE10] =	vst v20;
	v20 =	vld.idx.msk [tilespmem:v36+s13+$0x0], $0xffff  }
0x258: {  	v17 =	vld.idx.msk [tilespmem:v17+s13+$0x0], $0xffff;
	[tilespmem:s0+$0xFFFFFEC0] =	vst v19  }
0x259: {  	[tilespmem:s24+$0x10] =	vst v13;
	v19 =	vld.idx.msk [tilespmem:v23+s13+$0x0], $0xffff;
	v23 =	vadd.s32 s29, v6  }
0x25a: {  	[tilespmem:s24+$0xFFFFFFA0] =	vst v15;
	v15 =	vadd.s32 s18, v6;
	v18 =	vld.idx.msk [tilespmem:v18+s13+$0x0], $0xffff  }
0x25b: {  	v26 =	vld.idx.msk [tilespmem:v27+s13+$0x0], $0xffff;
	[tilespmem:s24+$0x110] =	vst v22;
	v22 =	vadd.s32 s1, v6  }
0x25c: {  	v27 =	vadd.s32 s30, v6;
	v16 =	vld.idx.msk [tilespmem:v16+s13+$0x0], $0xffff;
	[tilespmem:s0+$0xD0] =	vst v21  }
0x25d: {  	v21 =	vadd.s32 s31, v6;
	v13 =	vld.idx.msk [tilespmem:v33+s13+$0x0], $0xffff;
	[tilespmem:s0+$0x50] =	vst v25  }
0x25e: {  	[tilespmem:s0+$0xFFFFFE50] =	vst v17;
	v17 =	vadd.s32 s28, v6;
	v23 =	vld.idx.msk [tilespmem:v23+s13+$0x0], $0xffff  }
0x25f: {  	v25 =	vadd.s32 s11, v3;
	[tilespmem:s0+$0xFFFFFED0] =	vst v19;
	v19 =	vld.idx.msk [tilespmem:v15+s13+$0x0], $0xffff  }
0x260: {  	[tilespmem:s24+$0xFFFFFF20] =	vst v20;
	v20 =	vld.idx.msk [tilespmem:v22+s13+$0x0], $0xffff;
	v22 =	vadd.s32 s22, v7;
	s22 =	smov.u32 s19  }
0x261: {  	[tilespmem:s24+$0xFFFFFFB0] =	vst v26;
	v26 =	vld.idx.msk [tilespmem:v27+s13+$0x0], $0xffff;
	v27 =	vadd.s32 s18, v7;
	s18 =	smov.u32 s5  }
0x262: {  	v21 =	vld.idx.msk [tilespmem:v21+s13+$0x0], $0xffff;
	[tilespmem:s0+$0x160] =	vst v18;
	v18 =	vadd.s32 s29, v7;
	s29 =	smov.u32 s14  }
0x263: {  	[tilespmem:s24+$0x1B0] =	vst v16;
	v16 =	vld.idx.msk [tilespmem:v17+s13+$0x0], $0xffff;
	v17 =	vadd.s32 s30, v7;
	s30 =	smov.u32 s12  }
0x264: {  	v15 =	vld.idx.msk [tilespmem:v25+s13+$0x0], $0xffff;
	v25 =	vadd.s32 s31, v7;
	[tilespmem:s0+$0x1E0] =	vst v23;
	s31 =	smov.u32 s17  }
0x265: {  	v23 =	vadd.s32 s1, v7;
	s1 =	smov.u32 s11;
	[tilespmem:s0+$0xE0] =	vst v19;
	v22 =	vld.idx.msk [tilespmem:v22+s13+$0x0], $0xffff  }
0x266: {  	v28 =	vadd.s32 s28, v7;
	s28 =	smov.u32 s9;
	[tilespmem:s0+$0xFFFFFFF0] =	vst v24;
	v24 =	vld.idx.msk [tilespmem:v27+s13+$0x0], $0xffff  }
0x267: {  	v27 =	vadd.s32 s20, v4;
	[tilespmem:s0+$0xFFFFFEE0] =	vst v26;
	v26 =	vld.idx.msk [tilespmem:v18+s13+$0x0], $0xffff  }
0x268: {  	v29 =	vld.idx.msk [tilespmem:v17+s13+$0x0], $0xffff;
	[tilespmem:s0+$0x60] =	vst v21  }
0x269: {  	[tilespmem:s0+$0xFFFFFF60] =	vst v20;
	v20 =	vld.idx.msk [tilespmem:v25+s13+$0x0], $0xffff  }
.Ltmp2:
0x26a: {  	v21 =	vadd.s32 s29, v4;
	[tilespmem:s0+$0xFFFFFE60] =	vst v16;
	v19 =	vld.idx.msk [tilespmem:v23+s13+$0x0], $0xffff;
	(pc) =	sbr.rel @p2 .LBB2_6-.Ltmp2, $4  }
0x26b: {  	v18 =	vld.idx.msk [tilespmem:v28+s13+$0x0], $0xffff;
	[tilespmem:s0+$0x170] =	vst v22  }
0x26c: {  	v17 =	vld.idx.msk [tilespmem:v27+s13+$0x0], $0xffff;
	[tilespmem:s0+$0xF0] =	vst v24  }
0x26d: {  	v16 =	vld.idx.msk [tilespmem:v14+s13+$0x0], $0xffff;
	[tilespmem:s0+$0x1F0] =	vst v26  }
0x26e: {  	s23 =	smov.u32 s8;
	v14 =	vadd.s32 s20, v5;
	v12 =	vld.idx.msk [tilespmem:v12+s13+$0x0], $0xffff;
	[tilespmem:s0+$0xFFFFFEF0] =	vst v29  }
0x26f: {  	_ =	sdelay $0x1  }
0x270: {  	[tilespmem:s0+$0x70] =	vst v20  }
0x271: {  	[tilespmem:s0+$0xFFFFFF70] =	vst v19  }
0x272: {  	v19 =	vld.idx.msk [tilespmem:v21+s13+$0x0], $0xffff;
	[tilespmem:s6+$0x120] =	vst v13  }
0x273: {  	v10 =	vld.idx.msk [tilespmem:v10+s13+$0x0], $0xffff;
	[tilespmem:s6+$0xFFFFFF30] =	vst v15  }
0x274: {  	v9 =	vld.idx.msk [tilespmem:v9+s13+$0x0], $0xffff;
	v13 =	vadd.s32 s18, v3;
	[tilespmem:s6+$0xFFFFFFC0] =	vst v17  }
0x275: {  	[tilespmem:s6+$0x20] =	vst v16;
	v16 =	vadd.s32 s29, v5  }
0x276: {  	v15 =	vadd.s32 s30, v3;
	v8 =	vld.idx.msk [tilespmem:v8+s13+$0x0], $0xffff;
	[tilespmem:s6+$0xFFFFFE20] =	vst v12  }
0x277: {  	v20 =	vadd.s32 s1, v4;
	v11 =	vld.idx.msk [tilespmem:v11+s13+$0x0], $0xffff;
	[tilespmem:s6+$0x1C0] =	vst v19  }
0x278: {  	v14 =	vld.idx.msk [tilespmem:v14+s13+$0x0], $0xffff;
	v12 =	vadd.s32 s28, v3;
	[tilespmem:s6+$0xA0] =	vst v10  }
0x279: {  	[tilespmem:s6+$0xFFFFFEA0] =	vst v9;
	v9 =	vadd.s32 s31, v4;
	v13 =	vld.idx.msk [tilespmem:v13+s13+$0x0], $0xffff  }
0x27a: {  	[tilespmem:s0+$0xFFFFFE70] =	vst v18;
	v10 =	vld.idx.msk [tilespmem:v16+s13+$0x0], $0xffff;
	v16 =	vadd.s32 s22, v4  }
0x27b: {  	v18 =	vadd.s32 s20, v6;
	v15 =	vld.idx.msk [tilespmem:v15+s13+$0x0], $0xffff;
	[tilespmem:s6+$0x130] =	vst v8  }
0x27c: {  	v17 =	vld.idx.msk [tilespmem:v20+s13+$0x0], $0xffff;
	[tilespmem:s6+$0x30] =	vst v11;
	v11 =	vadd.s32 s18, v4  }
0x27d: {  	v8 =	vadd.s32 s30, v4;
	[tilespmem:s6+$0xFFFFFFD0] =	vst v14;
	v12 =	vld.idx.msk [tilespmem:v12+s13+$0x0], $0xffff  }
0x27e: {  	v14 =	vadd.s32 s1, v5;
	v9 =	vld.idx.msk [tilespmem:v9+s13+$0x0], $0xffff;
	[tilespmem:s6+$0xB0] =	vst v13  }
0x27f: {  	[tilespmem:s6+$0x1D0] =	vst v10;
	v10 =	vadd.s32 s28, v4;
	v16 =	vld.idx.msk [tilespmem:v16+s13+$0x0], $0xffff  }
0x280: {  	v13 =	vadd.s32 s22, v5;
	[tilespmem:s6+$0xFFFFFEB0] =	vst v15;
	v15 =	vld.idx.msk [tilespmem:v18+s13+$0x0], $0xffff  }
0x281: {  	[tilespmem:s6+$0xFFFFFF40] =	vst v17;
	v11 =	vld.idx.msk [tilespmem:v11+s13+$0x0], $0xffff  }
0x282: {  	v17 =	vadd.s32 s18, v5;
	v8 =	vld.idx.msk [tilespmem:v8+s13+$0x0], $0xffff;
	[tilespmem:s6+$0xFFFFFE30] =	vst v12  }
0x283: {  	v14 =	vld.idx.msk [tilespmem:v14+s13+$0x0], $0xffff;
	v12 =	vadd.s32 s31, v5;
	[tilespmem:s6+$0x40] =	vst v9  }
0x284: {  	v10 =	vld.idx.msk [tilespmem:v10+s13+$0x0], $0xffff;
	[tilespmem:s6+$0x140] =	vst v16;
	v16 =	vadd.s32 s30, v5  }
0x285: {  	[tilespmem:s6+$0xFFFFFFE0] =	vst v15;
	v9 =	vld.idx.msk [tilespmem:v13+s13+$0x0], $0xffff;
	v13 =	vadd.s32 s28, v5  }
0x286: {  	[tilespmem:s6+$0xC0] =	vst v11;
	v11 =	vadd.s32 s22, v6  }
0x287: {  	[tilespmem:s6+$0xFFFFFEC0] =	vst v8;
	v15 =	vld.idx.msk [tilespmem:v17+s13+$0x0], $0xffff;
	v17 =	vadd.s32 s29, v6  }
0x288: {  	v18 =	vadd.s32 s20, v7;
	[tilespmem:s6+$0xFFFFFF50] =	vst v14;
	v12 =	vld.idx.msk [tilespmem:v12+s13+$0x0], $0xffff  }
0x289: {  	v14 =	vadd.s32 s31, v6;
	[tilespmem:s6+$0xFFFFFE40] =	vst v10;
	v10 =	vld.idx.msk [tilespmem:v16+s13+$0x0], $0xffff  }
0x28a: {  	v8 =	vadd.s32 s18, v6;
	[tilespmem:s6+$0x150] =	vst v9;
	v9 =	vld.idx.msk [tilespmem:v13+s13+$0x0], $0xffff  }
0x28b: {  	v13 =	vadd.s32 s30, v6;
	v11 =	vld.idx.msk [tilespmem:v11+s13+$0x0], $0xffff  }
0x28c: {  	[tilespmem:s6+$0xD0] =	vst v15;
	v15 =	vld.idx.msk [tilespmem:v17+s13+$0x0], $0xffff  }
0x28d: {  	v16 =	vadd.s32 s1, v6;
	[tilespmem:s6+$0x50] =	vst v12;
	v17 =	vld.idx.msk [tilespmem:v18+s13+$0x0], $0xffff  }
0x28e: {  	v12 =	vadd.s32 s28, v6;
	v14 =	vld.idx.msk [tilespmem:v14+s13+$0x0], $0xffff  }
0x28f: {  	v8 =	vld.idx.msk [tilespmem:v8+s13+$0x0], $0xffff;
	[tilespmem:s6+$0xFFFFFED0] =	vst v10;
	v10 =	vadd.s32 s22, v7  }
0x290: {  	[tilespmem:s6+$0xFFFFFE50] =	vst v9;
	v9 =	vld.idx.msk [tilespmem:v13+s13+$0x0], $0xffff;
	v13 =	vadd.s32 s18, v7  }
0x291: {  	[tilespmem:s6+$0x160] =	vst v11;
	v11 =	vadd.s32 s29, v7  }
0x292: {  	v18 =	vadd.s32 s30, v7;
	v16 =	vld.idx.msk [tilespmem:v16+s13+$0x0], $0xffff;
	[tilespmem:s6+$0x1E0] =	vst v15  }
0x293: {  	v12 =	vld.idx.msk [tilespmem:v12+s13+$0x0], $0xffff;
	v15 =	vadd.s32 s31, v7;
	[tilespmem:s6+$0xFFFFFFF0] =	vst v17  }
0x294: {  	[tilespmem:s6+$0xE0] =	vst v8;
	v8 =	vadd.s32 s1, v7;
	v10 =	vld.idx.msk [tilespmem:v10+s13+$0x0], $0xffff  }
0x295: {  	v17 =	vadd.s32 s28, v7;
	[tilespmem:s6+$0x60] =	vst v14;
	v13 =	vld.idx.msk [tilespmem:v13+s13+$0x0], $0xffff  }
0x296: {  	[tilespmem:s6+$0xFFFFFEE0] =	vst v9;
	v9 =	vld.idx.msk [tilespmem:v11+s13+$0x0], $0xffff  }
0x297: {  	[tilespmem:s6+$0xFFFFFF60] =	vst v16;
	v11 =	vld.idx.msk [tilespmem:v18+s13+$0x0], $0xffff  }
0x298: {  	v14 =	vld.idx.msk [tilespmem:v15+s13+$0x0], $0xffff;
	[tilespmem:s6+$0xFFFFFE60] =	vst v12  }
0x299: {  	v8 =	vld.idx.msk [tilespmem:v8+s13+$0x0], $0xffff;
	[tilespmem:s6+$0x170] =	vst v10  }
0x29a: {  	v10 =	vld.idx.msk [tilespmem:v17+s13+$0x0], $0xffff;
	[tilespmem:s6+$0xF0] =	vst v13  }
0x29b: {  	[tilespmem:s6+$0x1F0] =	vst v9  }
0x29c: {  	[tilespmem:s6+$0xFFFFFEF0] =	vst v11  }
0x29d: {  	[tilespmem:s6+$0x70] =	vst v14  }
0x29e: {  	s12 =	sshll.u32 s15, $0x4;
	[tilespmem:s6+$0xFFFFFF70] =	vst v8  }
0x29f: {  	s14 =	simm.s32 $0xF080;
	s0 =	sadd.s32 s3, s12;
	[tilespmem:s6+$0xFFFFFE70] =	vst v10  }
0x2a0: {  	[hbm4b:s0+s4] =	stream.linear.scatter [tilespmem:s14], [sflag:$0x7], $0x2800, $0x38;
	[tilespmem:$0x14080] =	vst v63  }
0x2a1: {  	s0 =	rddreg [dreg:$0x9]  }
0x2a2: {  	s0 =	sadd.s32 @!p1 s26, s0  }
0x2a3: {  	s5 =	simm.s32 @!p1 $0x5080;
	s0 =	sshll.u32 @!p1 s0, $0x4  }
0x2a4: {  	s15 =	simm.s32 $0x4;
	s1 =	simm.s32 @!p1 $0x0;
	s0 =	sadd.s32 @!p1 s2, s0  }
0x2a5: {  	[tilespmem:s5], [sflag:$0x3] =	stream.linear.gather @!p1 [hbm4b:s0+s1], $0x2800, $0x38;
	[tilespmem:$0x14080] =	vst v63  }
0x2a6: {  	s17 =	simm.s32 $0x180;
	_ =	swait.ge [sflag:s15], $0x2800  }
0x2a7: {  	s8 =	simm.s32 $0x100;
	v8 =	vadd.s32 s17, v0;
	[sflag:s15] =	ssyncset.done $0x0  }
0x2a8: {  	v12 =	vadd.s32 s8, v0;
	s0 =	simm.s32 @!p0 $0x8;
	[sflag:s15] =	ssyncadd.s32 $0xFFFFD800  }
0x2a9: {  	s21 =	simm.s32 $0x380;
	_ =	swait.ge @!p0 [sflag:s0], $0x2800  }
0x2aa: {  	s19 =	simm.s32 $0x0;
	v10 =	vadd.s32 s21, v0;
	[sflag:s0] =	ssyncset.done @!p0 $0x0  }
0x2ab: {  	s9 =	simm.s32 $0x80;
	v9 =	vadd.s32 s19, v0;
	[sflag:s0] =	ssyncadd.s32 @!p0 $0xFFFFD800  }
0x2ac: {  	v11 =	vadd.s32 s9, v0;
	s14 =	simm.s32 $0x300;
	v8 =	vld.idx.msk [tilespmem:v8+s16+$0x0], $0xffff  }
0x2ad: {  	v17 =	vadd.s32 s14, v0;
	v12 =	vld.idx.msk [tilespmem:v12+s16+$0x0], $0xffff  }
0x2ae: {  	s12 =	simm.s32 $0x280;
	v13 =	vadd.s32 s17, v1  }
0x2af: {  	s11 =	simm.s32 $0x200;
	v15 =	vadd.s32 s12, v0;
	v10 =	vld.idx.msk [tilespmem:v10+s16+$0x0], $0xffff  }
0x2b0: {  	v14 =	vadd.s32 s11, v0;
	s0 =	simm.s32 $0x11A80;
	v9 =	vld.idx.msk [tilespmem:v9+s16+$0x0], $0xffff  }
0x2b1: {  	v16 =	vadd.s32 s21, v1;
	v11 =	vld.idx.msk [tilespmem:v11+s16+$0x0], $0xffff;
	[tilespmem:s0+$0xFFFFFF80] =	vst v8  }
0x2b2: {  	v8 =	vadd.s32 s8, v1;
	[tilespmem:s0+$0xFFFFFF00] =	vst v12;
	v12 =	vld.idx.msk [tilespmem:v17+s16+$0x0], $0xffff  }
0x2b3: {  	v17 =	vadd.s32 s14, v1;
	v13 =	vld.idx.msk [tilespmem:v13+s16+$0x0], $0xffff  }
0x2b4: {  	v18 =	vadd.s32 s17, v2;
	[tilespmem:s0+$0x180] =	vst v10;
	v10 =	vld.idx.msk [tilespmem:v15+s16+$0x0], $0xffff  }
0x2b5: {  	v14 =	vld.idx.msk [tilespmem:v14+s16+$0x0], $0xffff;
	v15 =	vadd.s32 s12, v1  }
0x2b6: {  	v19 =	vadd.s32 s9, v1;
	[tilespmem:s0+$0xFFFFFE80] =	vst v11;
	v16 =	vld.idx.msk [tilespmem:v16+s16+$0x0], $0xffff  }
0x2b7: {  	v20 =	vadd.s32 s21, v2;
	v8 =	vld.idx.msk [tilespmem:v8+s16+$0x0], $0xffff;
	[tilespmem:s0+$0x100] =	vst v12  }
0x2b8: {  	v11 =	vadd.s32 s8, v2;
	[tilespmem:s0+$0xFFFFFF90] =	vst v13;
	v12 =	vld.idx.msk [tilespmem:v17+s16+$0x0], $0xffff  }
0x2b9: {  	[tilespmem:s0+$0x80] =	vst v10;
	v17 =	vadd.s32 s14, v2;
	v13 =	vld.idx.msk [tilespmem:v18+s16+$0x0], $0xffff  }
0x2ba: {  	[tilespmem:s0+$0x0] =	vst v14;
	v10 =	vadd.s32 s17, v3;
	v15 =	vld.idx.msk [tilespmem:v15+s16+$0x0], $0xffff  }
0x2bb: {  	[tilespmem:s0+$0x190] =	vst v16;
	v18 =	vld.idx.msk [tilespmem:v19+s16+$0x0], $0xffff;
	v19 =	vadd.s32 s11, v1  }
0x2bc: {  	v16 =	vadd.s32 s19, v1;
	v20 =	vld.idx.msk [tilespmem:v20+s16+$0x0], $0xffff;
	[tilespmem:s0+$0xFFFFFF10] =	vst v8  }
0x2bd: {  	v8 =	vadd.s32 s21, v3;
	v11 =	vld.idx.msk [tilespmem:v11+s16+$0x0], $0xffff;
	[tilespmem:s0+$0x110] =	vst v12  }
0x2be: {  	[tilespmem:s0+$0xFFFFFFA0] =	vst v13;
	v12 =	vld.idx.msk [tilespmem:v17+s16+$0x0], $0xffff;
	v17 =	vadd.s32 s9, v2  }
0x2bf: {  	[tilespmem:s0+$0xFFFFFE00] =	vst v9;
	v13 =	vadd.s32 s8, v3;
	v10 =	vld.idx.msk [tilespmem:v10+s16+$0x0], $0xffff  }
0x2c0: {  	v14 =	vadd.s32 s17, v4;
	[tilespmem:s0+$0x90] =	vst v15;
	v9 =	vld.idx.msk [tilespmem:v19+s16+$0x0], $0xffff  }
0x2c1: {  	s29 =	simm.s32 $0x780;
	v16 =	vld.idx.msk [tilespmem:v16+s16+$0x0], $0xffff;
	v19 =	vadd.s32 s11, v2;
	[tilespmem:s0+$0x1A0] =	vst v20  }
0x2c2: {  	[tilespmem:s0+$0xFFFFFE90] =	vst v18;
	v18 =	vadd.s32 s29, v0;
	v8 =	vld.idx.msk [tilespmem:v8+s16+$0x0], $0xffff  }
0x2c3: {  	v20 =	vadd.s32 s19, v2;
	[tilespmem:s0+$0xFFFFFF20] =	vst v11;
	v17 =	vld.idx.msk [tilespmem:v17+s16+$0x0], $0xffff  }
0x2c4: {  	v11 =	vadd.s32 s21, v4;
	[tilespmem:s0+$0xFFFFFFB0] =	vst v10;
	v10 =	vld.idx.msk [tilespmem:v13+s16+$0x0], $0xffff  }
0x2c5: {  	[tilespmem:s0+$0x10] =	vst v9;
	v13 =	vadd.s32 s12, v2;
	v9 =	vld.idx.msk [tilespmem:v14+s16+$0x0], $0xffff  }
0x2c6: {  	[tilespmem:s0+$0xFFFFFE10] =	vst v16;
	v16 =	vadd.s32 s17, v5;
	v14 =	vld.idx.msk [tilespmem:v19+s16+$0x0], $0xffff  }
0x2c7: {  	[tilespmem:s0+$0x120] =	vst v12;
	v18 =	vld.idx.msk [tilespmem:v18+s16+$0x0], $0xffff;
	v19 =	vadd.s32 s11, v3  }
0x2c8: {  	s28 =	simm.s32 $0x400;
	[tilespmem:s0+$0x1B0] =	vst v8;
	v8 =	vld.idx.msk [tilespmem:v20+s16+$0x0], $0xffff;
	v20 =	vadd.s32 s14, v3  }
0x2c9: {  	v15 =	vadd.s32 s28, v0;
	v11 =	vld.idx.msk [tilespmem:v11+s16+$0x0], $0xffff;
	[tilespmem:s0+$0xFFFFFF30] =	vst v10  }
0x2ca: {  	s30 =	simm.s32 $0x480;
	v12 =	vadd.s32 s21, v5;
	v13 =	vld.idx.msk [tilespmem:v13+s16+$0x0], $0xffff;
	[tilespmem:s0+$0xFFFFFFC0] =	vst v9  }
0x2cb: {  	v10 =	vadd.s32 s30, v0;
	[tilespmem:s0+$0x20] =	vst v14;
	v16 =	vld.idx.msk [tilespmem:v16+s16+$0x0], $0xffff  }
0x2cc: {  	v9 =	vadd.s32 s8, v4;
	v14 =	vld.idx.msk [tilespmem:v19+s16+$0x0], $0xffff  }
0x2cd: {  	[tilespmem:s0+$0xFFFFFEA0] =	vst v17;
	v19 =	vadd.s32 s12, v3;
	v20 =	vld.idx.msk [tilespmem:v20+s16+$0x0], $0xffff  }
0x2ce: {  	s24 =	simm.s32 $0x11E80;
	[tilespmem:s0+$0x1C0] =	vst v11;
	v11 =	vld.idx.msk [tilespmem:v15+s16+$0x0], $0xffff;
	v15 =	vadd.s32 s9, v3  }
0x2cf: {  	v21 =	vadd.s32 s19, v3;
	[tilespmem:s24+$0x180] =	vst v18;
	v12 =	vld.idx.msk [tilespmem:v12+s16+$0x0], $0xffff  }
0x2d0: {  	s31 =	simm.s32 $0x600;
	v18 =	vadd.s32 s17, v6;
	[tilespmem:s0+$0xFFFFFE20] =	vst v8;
	v10 =	vld.idx.msk [tilespmem:v10+s16+$0x0], $0xffff  }
0x2d1: {  	[tilespmem:s0+$0xA0] =	vst v13;
	v13 =	vadd.s32 s31, v0;
	v8 =	vld.idx.msk [tilespmem:v9+s16+$0x0], $0xffff  }
0x2d2: {  	s18 =	simm.s32 $0x680;
	v9 =	vadd.s32 s11, v4;
	v17 =	vld.idx.msk [tilespmem:v19+s16+$0x0], $0xffff;
	[tilespmem:s0+$0x30] =	vst v14  }
0x2d3: {  	s1 =	simm.s32 $0x500;
	v19 =	vadd.s32 s18, v0;
	[tilespmem:s0+$0xFFFFFFD0] =	vst v16;
	v14 =	vld.idx.msk [tilespmem:v15+s16+$0x0], $0xffff  }
0x2d4: {  	s20 =	simm.s32 $0x580;
	v15 =	vadd.s32 s1, v0;
	[tilespmem:s24+$0xFFFFFE00] =	vst v11;
	v11 =	vld.idx.msk [tilespmem:v21+s16+$0x0], $0xffff  }
0x2d5: {  	v21 =	vadd.s32 s20, v0;
	v18 =	vld.idx.msk [tilespmem:v18+s16+$0x0], $0xffff;
	[tilespmem:s0+$0x1D0] =	vst v12  }
0x2d6: {  	v13 =	vld.idx.msk [tilespmem:v13+s16+$0x0], $0xffff;
	[tilespmem:s24+$0xFFFFFE80] =	vst v10;
	v10 =	vadd.s32 s17, v7  }
0x2d7: {  	v9 =	vld.idx.msk [tilespmem:v9+s16+$0x0], $0xffff;
	[tilespmem:s0+$0xFFFFFF40] =	vst v8;
	v8 =	vadd.s32 s29, v1  }
0x2d8: {  	v12 =	vld.idx.msk [tilespmem:v19+s16+$0x0], $0xffff;
	[tilespmem:s0+$0xB0] =	vst v17;
	v17 =	vadd.s32 s12, v4  }
0x2d9: {  	v19 =	vadd.s32 s30, v1;
	v15 =	vld.idx.msk [tilespmem:v15+s16+$0x0], $0xffff;
	[tilespmem:s0+$0xFFFFFEB0] =	vst v14  }
0x2da: {  	v16 =	vadd.s32 s14, v4;
	v14 =	vld.idx.msk [tilespmem:v21+s16+$0x0], $0xffff;
	[tilespmem:s0+$0xFFFFFFE0] =	vst v18  }
0x2db: {  	[tilespmem:s0+$0x130] =	vst v20;
	v21 =	vadd.s32 s1, v1;
	v10 =	vld.idx.msk [tilespmem:v10+s16+$0x0], $0xffff  }
0x2dc: {  	v20 =	vadd.s32 s20, v1;
	[tilespmem:s0+$0xFFFFFE30] =	vst v11;
	v8 =	vld.idx.msk [tilespmem:v8+s16+$0x0], $0xffff  }
0x2dd: {  	s22 =	simm.s32 $0x700;
	[tilespmem:s0+$0x40] =	vst v9;
	v9 =	vadd.s32 s19, v4;
	v17 =	vld.idx.msk [tilespmem:v17+s16+$0x0], $0xffff  }
0x2de: {  	v19 =	vld.idx.msk [tilespmem:v19+s16+$0x0], $0xffff;
	[tilespmem:s24+$0x80] =	vst v12;
	v12 =	vadd.s32 s22, v0  }
0x2df: {  	v11 =	vadd.s32 s29, v2;
	[tilespmem:s24+$0xFFFFFF00] =	vst v15;
	v15 =	vld.idx.msk [tilespmem:v16+s16+$0x0], $0xffff  }
0x2e0: {  	v16 =	vadd.s32 s18, v1;
	[tilespmem:s24+$0xFFFFFF80] =	vst v14;
	v21 =	vld.idx.msk [tilespmem:v21+s16+$0x0], $0xffff  }
0x2e1: {  	[tilespmem:s24+$0x0] =	vst v13;
	v14 =	vadd.s32 s8, v5;
	v18 =	vld.idx.msk [tilespmem:v20+s16+$0x0], $0xffff  }
0x2e2: {  	v13 =	vadd.s32 s14, v5;
	[tilespmem:s0+$0xFFFFFFF0] =	vst v10;
	v9 =	vld.idx.msk [tilespmem:v9+s16+$0x0], $0xffff  }
0x2e3: {  	v20 =	vadd.s32 s31, v1;
	[tilespmem:s24+$0x190] =	vst v8;
	v12 =	vld.idx.msk [tilespmem:v12+s16+$0x0], $0xffff  }
0x2e4: {  	[tilespmem:s24+$0xFFFFFE90] =	vst v19;
	v19 =	vadd.s32 s28, v1;
	v8 =	vld.idx.msk [tilespmem:v11+s16+$0x0], $0xffff  }
0x2e5: {  	v11 =	vadd.s32 s9, v4;
	[tilespmem:s0+$0xC0] =	vst v17;
	v16 =	vld.idx.msk [tilespmem:v16+s16+$0x0], $0xffff  }
0x2e6: {  	v14 =	vld.idx.msk [tilespmem:v14+s16+$0x0], $0xffff;
	[tilespmem:s0+$0x140] =	vst v15;
	v15 =	vadd.s32 s20, v2  }
0x2e7: {  	v17 =	vadd.s32 s22, v1;
	[tilespmem:s24+$0xFFFFFF10] =	vst v21;
	v13 =	vld.idx.msk [tilespmem:v13+s16+$0x0], $0xffff  }
0x2e8: {  	v21 =	vadd.s32 s11, v5;
	[tilespmem:s24+$0xFFFFFF90] =	vst v18;
	v18 =	vld.idx.msk [tilespmem:v20+s16+$0x0], $0xffff  }
0x2e9: {  	v19 =	vld.idx.msk [tilespmem:v19+s16+$0x0], $0xffff;
	[tilespmem:s24+$0x100] =	vst v12;
	v12 =	vadd.s32 s12, v5  }
0x2ea: {  	v20 =	vadd.s32 s1, v2;
	[tilespmem:s0+$0xFFFFFE40] =	vst v9;
	v11 =	vld.idx.msk [tilespmem:v11+s16+$0x0], $0xffff  }
0x2eb: {  	[tilespmem:s24+$0x1A0] =	vst v8;
	v8 =	vadd.s32 s19, v5;
	v15 =	vld.idx.msk [tilespmem:v15+s16+$0x0], $0xffff  }
0x2ec: {  	v9 =	vadd.s32 s9, v5;
	[tilespmem:s24+$0x90] =	vst v16;
	v17 =	vld.idx.msk [tilespmem:v17+s16+$0x0], $0xffff  }
0x2ed: {  	[tilespmem:s0+$0xFFFFFF50] =	vst v14;
	v14 =	vadd.s32 s29, v3;
	v16 =	vld.idx.msk [tilespmem:v21+s16+$0x0], $0xffff  }
0x2ee: {  	[tilespmem:s0+$0x150] =	vst v13;
	v13 =	vadd.s32 s14, v6;
	v12 =	vld.idx.msk [tilespmem:v12+s16+$0x0], $0xffff  }
0x2ef: {  	v21 =	vadd.s32 s20, v3;
	[tilespmem:s24+$0xFFFFFE10] =	vst v19;
	v19 =	vld.idx.msk [tilespmem:v20+s16+$0x0], $0xffff  }
0x2f0: {  	v20 =	vadd.s32 s22, v2;
	v8 =	vld.idx.msk [tilespmem:v8+s16+$0x0], $0xffff;
	[tilespmem:s0+$0xFFFFFEC0] =	vst v11  }
0x2f1: {  	[tilespmem:s24+$0x10] =	vst v18;
	v11 =	vadd.s32 s21, v6;
	v9 =	vld.idx.msk [tilespmem:v9+s16+$0x0], $0xffff  }
0x2f2: {  	[tilespmem:s24+$0xFFFFFFA0] =	vst v15;
	v15 =	vadd.s32 s12, v6;
	v14 =	vld.idx.msk [tilespmem:v14+s16+$0x0], $0xffff  }
0x2f3: {  	[tilespmem:s24+$0x110] =	vst v17;
	v17 =	vadd.s32 s8, v6;
	v18 =	vld.idx.msk [tilespmem:v13+s16+$0x0], $0xffff  }
0x2f4: {  	v22 =	vadd.s32 s9, v6;
	v21 =	vld.idx.msk [tilespmem:v21+s16+$0x0], $0xffff;
	[tilespmem:s0+$0x50] =	vst v16  }
0x2f5: {  	v16 =	vadd.s32 s1, v3;
	[tilespmem:s0+$0xD0] =	vst v12;
	v13 =	vld.idx.msk [tilespmem:v20+s16+$0x0], $0xffff  }
0x2f6: {  	v12 =	vadd.s32 s11, v6;
	[tilespmem:s0+$0xFFFFFE50] =	vst v8;
	v11 =	vld.idx.msk [tilespmem:v11+s16+$0x0], $0xffff  }
0x2f7: {  	v8 =	vadd.s32 s19, v6;
	[tilespmem:s0+$0xFFFFFED0] =	vst v9;
	v9 =	vld.idx.msk [tilespmem:v15+s16+$0x0], $0xffff  }
0x2f8: {  	v20 =	vadd.s32 s14, v7;
	[tilespmem:s24+$0xFFFFFF20] =	vst v19;
	v17 =	vld.idx.msk [tilespmem:v17+s16+$0x0], $0xffff  }
0x2f9: {  	[tilespmem:s24+$0xFFFFFFB0] =	vst v21;
	v21 =	vld.idx.msk [tilespmem:v22+s16+$0x0], $0xffff;
	v22 =	vadd.s32 s21, v7  }
0x2fa: {  	v19 =	vadd.s32 s12, v7;
	[tilespmem:s24+$0x1B0] =	vst v14;
	v15 =	vld.idx.msk [tilespmem:v16+s16+$0x0], $0xffff  }
0x2fb: {  	v24 =	vadd.s32 s20, v4;
	[tilespmem:s0+$0x160] =	vst v18;
	v12 =	vld.idx.msk [tilespmem:v12+s16+$0x0], $0xffff  }
0x2fc: {  	v18 =	vadd.s32 s9, v7;
	v8 =	vld.idx.msk [tilespmem:v8+s16+$0x0], $0xffff;
	[tilespmem:s0+$0x1E0] =	vst v11  }
0x2fd: {  	v11 =	vadd.s32 s8, v7;
	[tilespmem:s0+$0xE0] =	vst v9;
	v9 =	vld.idx.msk [tilespmem:v20+s16+$0x0], $0xffff  }
0x2fe: {  	v14 =	vadd.s32 s11, v7;
	[tilespmem:s0+$0xFFFFFEE0] =	vst v21;
	v21 =	vld.idx.msk [tilespmem:v22+s16+$0x0], $0xffff  }
0x2ff: {  	v16 =	vadd.s32 s19, v7;
	[tilespmem:s0+$0xFFFFFF60] =	vst v17;
	v23 =	vld.idx.msk [tilespmem:v19+s16+$0x0], $0xffff  }
0x300: {  	v17 =	vld.idx.msk [tilespmem:v24+s16+$0x0], $0xffff;
	v22 =	vadd.s32 s31, v2;
	[tilespmem:s0+$0x60] =	vst v12  }
0x301: {  	v25 =	vld.idx.msk [tilespmem:v18+s16+$0x0], $0xffff;
	v12 =	vadd.s32 s28, v2;
	[tilespmem:s0+$0xFFFFFE60] =	vst v8  }
0x302: {  	v19 =	vld.idx.msk [tilespmem:v11+s16+$0x0], $0xffff;
	[tilespmem:s0+$0x170] =	vst v9  }
0x303: {  	v20 =	vld.idx.msk [tilespmem:v14+s16+$0x0], $0xffff;
	[tilespmem:s0+$0x1F0] =	vst v21;
	v21 =	vadd.s32 s29, v4  }
0x304: {  	v18 =	vld.idx.msk [tilespmem:v16+s16+$0x0], $0xffff;
	v9 =	vadd.s32 s30, v2;
	[tilespmem:s0+$0xF0] =	vst v23  }
0x305: {  	v10 =	vadd.s32 s18, v2;
	v8 =	vadd.s32 s22, v3;
	v16 =	vld.idx.msk [tilespmem:v22+s16+$0x0], $0xffff;
	s23 =	rddreg [dreg:$0xa]  }
0x306: {  	s6 =	simm.s32 $0x11E80;
	v11 =	vadd.s32 s31, v3;
	v14 =	vadd.s32 s20, v5;
	[tilespmem:s0+$0xFFFFFEF0] =	vst v25;
	s15 =	sadd.s32 s26, s23;
	s23 =	simm.s32 $0x10;
	v12 =	vld.idx.msk [tilespmem:v12+s16+$0x0], $0xffff  }
.LBB2_8:
0x307: {  	s9 =	sshll.u32 s23, $0x7  }
0x308: {  	v21 =	vld.idx.msk [tilespmem:v21+s16+$0x0], $0xffff;
	s24 =	sadd.s32 $0x400, s24;
	[tilespmem:s0+$0x70] =	vst v20;
	s5 =	smov.u32 s23;
	s8 =	sadd.s32 $0x8, s23  }
0x309: {  	v22 =	vadd.s32 s1, v4;
	v20 =	vadd.s32 s9, v0;
	s11 =	sadd.s32 $0x100, s9;
	s5 =	sadd.s32 $0x280, s9;
	s14 =	sadd.s32 $0x380, s9;
	v9 =	vld.idx.msk [tilespmem:v9+s16+$0x0], $0xffff;
	[tilespmem:s0+$0xFFFFFF70] =	vst v19  }
0x30a: {  	s12 =	sadd.s32 $0x80, s9;
	s21 =	sadd.s32 $0x180, s9;
	s19 =	sadd.s32 $0x300, s9;
	v19 =	vadd.s32 s5, v0;
	v23 =	vadd.s32 s14, v0;
	v10 =	vld.idx.msk [tilespmem:v10+s16+$0x0], $0xffff;
	[tilespmem:s0+$0xFFFFFE70] =	vst v18  }
0x30b: {  	p0 =	slt.u32 s23, $0x48;
	s17 =	sadd.s32 $0x200, s9;
	v18 =	vadd.s32 s11, v0;
	v24 =	vadd.s32 s21, v0;
	v25 =	vadd.s32 s19, v0;
	s0 =	smov.u32 s6;
	[tilespmem:s6+$0xFFFFFFC0] =	vst v17  }
0x30c: {  	v26 =	vadd.s32 s17, v0;
	v17 =	vadd.s32 s12, v0;
	s6 =	smov.u32 s24;
	v27 =	vld.idx.msk [tilespmem:v14+s16+$0x0], $0xffff;
	[tilespmem:s0+$0x20] =	vst v16  }
0x30d: {  	v11 =	vld.idx.msk [tilespmem:v11+s16+$0x0], $0xffff;
	[tilespmem:s0+$0x120] =	vst v13;
	v13 =	vadd.s32 s29, v5  }
0x30e: {  	v14 =	vadd.s32 s18, v3;
	v8 =	vld.idx.msk [tilespmem:v8+s16+$0x0], $0xffff;
	[tilespmem:s0+$0x1C0] =	vst v21  }
0x30f: {  	v16 =	vld.idx.msk [tilespmem:v20+s16+$0x0], $0xffff;
	[tilespmem:s0+$0xFFFFFE20] =	vst v12;
	v12 =	vadd.s32 s30, v3  }
0x310: {  	v20 =	vadd.s32 s9, v1;
	v21 =	vld.idx.msk [tilespmem:v23+s16+$0x0], $0xffff;
	v23 =	vadd.s32 s28, v3;
	[tilespmem:s0+$0xFFFFFF30] =	vst v15  }
0x311: {  	v15 =	vadd.s32 s31, v4;
	[tilespmem:s0+$0xFFFFFEA0] =	vst v9;
	v9 =	vld.idx.msk [tilespmem:v22+s16+$0x0], $0xffff  }
0x312: {  	v22 =	vadd.s32 s19, v1;
	[tilespmem:s0+$0xA0] =	vst v10;
	v10 =	vld.idx.msk [tilespmem:v13+s16+$0x0], $0xffff  }
0x313: {  	v13 =	vadd.s32 s17, v1;
	[tilespmem:s0+$0x30] =	vst v11;
	v11 =	vld.idx.msk [tilespmem:v14+s16+$0x0], $0xffff  }
0x314: {  	v28 =	vadd.s32 s14, v1;
	v29 =	vld.idx.msk [tilespmem:v12+s16+$0x0], $0xffff  }
0x315: {  	[tilespmem:s24+$0xFFFFFE00] =	vst v16;
	v16 =	vadd.s32 s12, v1;
	v23 =	vld.idx.msk [tilespmem:v23+s16+$0x0], $0xffff  }
0x316: {  	v30 =	vadd.s32 s21, v1;
	[tilespmem:s24+$0x180] =	vst v21;
	v21 =	vadd.s32 s20, v6;
	v15 =	vld.idx.msk [tilespmem:v15+s16+$0x0], $0xffff  }
0x317: {  	v31 =	vadd.s32 s5, v1;
	v12 =	vadd.s32 s9, v2;
	v17 =	vld.idx.msk [tilespmem:v17+s16+$0x0], $0xffff;
	[tilespmem:s0+$0xFFFFFF40] =	vst v9  }
0x318: {  	v32 =	vadd.s32 s11, v1;
	v26 =	vld.idx.msk [tilespmem:v26+s16+$0x0], $0xffff;
	[tilespmem:s0+$0x1D0] =	vst v10  }
0x319: {  	v33 =	vadd.s32 s19, v2;
	v19 =	vld.idx.msk [tilespmem:v19+s16+$0x0], $0xffff;
	[tilespmem:s0+$0xB0] =	vst v11;
	v11 =	vadd.s32 s18, v4  }
0x31a: {  	v14 =	vadd.s32 s17, v2;
	v18 =	vld.idx.msk [tilespmem:v18+s16+$0x0], $0xffff;
	[tilespmem:s0+$0xFFFFFEB0] =	vst v29  }
0x31b: {  	v29 =	vadd.s32 s14, v2;
	v24 =	vld.idx.msk [tilespmem:v24+s16+$0x0], $0xffff;
	[tilespmem:s0+$0xFFFFFFD0] =	vst v27;
	v27 =	vadd.s32 s22, v4  }
0x31c: {  	v9 =	vadd.s32 s12, v2;
	v21 =	vld.idx.msk [tilespmem:v21+s16+$0x0], $0xffff;
	[tilespmem:s0+$0x40] =	vst v15  }
0x31d: {  	v15 =	vadd.s32 s21, v2;
	[tilespmem:s24+$0xFFFFFE80] =	vst v17;
	v17 =	vld.idx.msk [tilespmem:v28+s16+$0x0], $0xffff;
	v28 =	vadd.s32 s28, v4  }
0x31e: {  	v34 =	vadd.s32 s20, v7;
	s20 =	smov.u32 s21;
	v10 =	vadd.s32 s5, v2;
	v35 =	vld.idx.msk [tilespmem:v11+s16+$0x0], $0xffff;
	[tilespmem:s0+$0x130] =	vst v8  }
0x31f: {  	v36 =	vadd.s32 s11, v2;
	v16 =	vld.idx.msk [tilespmem:v16+s16+$0x0], $0xffff;
	[tilespmem:s24+$0x80] =	vst v19  }
0x320: {  	[tilespmem:s24+$0xFFFFFF00] =	vst v18;
	v18 =	vld.idx.msk [tilespmem:v27+s16+$0x0], $0xffff  }
0x321: {  	v8 =	vadd.s32 s19, v3;
	v19 =	vld.idx.msk [tilespmem:v32+s16+$0x0], $0xffff;
	[tilespmem:s0+$0xFFFFFE30] =	vst v23  }
0x322: {  	v23 =	vld.idx.msk [tilespmem:v28+s16+$0x0], $0xffff;
	[tilespmem:s0+$0xFFFFFFE0] =	vst v21  }
0x323: {  	v11 =	vadd.s32 s17, v3;
	v21 =	vadd.s32 s1, v5;
	[tilespmem:s24+$0xFFFFFF80] =	vst v24;
	v24 =	vld.idx.msk [tilespmem:v34+s16+$0x0], $0xffff  }
0x324: {  	v27 =	vld.idx.msk [tilespmem:v30+s16+$0x0], $0xffff;
	[tilespmem:s24+$0x0] =	vst v26;
	v26 =	vadd.s32 s22, v5  }
0x325: {  	[tilespmem:s24+$0xFFFFFE90] =	vst v16;
	v16 =	vld.idx.msk [tilespmem:v25+s16+$0x0], $0xffff  }
0x326: {  	v25 =	vld.idx.msk [tilespmem:v31+s16+$0x0], $0xffff;
	[tilespmem:s24+$0x190] =	vst v17  }
0x327: {  	[tilespmem:s24+$0xFFFFFF10] =	vst v19;
	v17 =	vld.idx.msk [tilespmem:v29+s16+$0x0], $0xffff;
	v19 =	vadd.s32 s30, v4  }
0x328: {  	v28 =	vadd.s32 s31, v5;
	v21 =	vld.idx.msk [tilespmem:v21+s16+$0x0], $0xffff;
	[tilespmem:s0+$0x140] =	vst v18  }
0x329: {  	[tilespmem:s0+$0xC0] =	vst v35;
	v18 =	vld.idx.msk [tilespmem:v26+s16+$0x0], $0xffff  }
0x32a: {  	[tilespmem:s24+$0xFFFFFF90] =	vst v27;
	v13 =	vld.idx.msk [tilespmem:v13+s16+$0x0], $0xffff  }
0x32b: {  	v26 =	vadd.s32 s18, v5;
	v20 =	vld.idx.msk [tilespmem:v20+s16+$0x0], $0xffff;
	[tilespmem:s24+$0x100] =	vst v16;
	v16 =	vadd.s32 s14, v3  }
0x32c: {  	[tilespmem:s24+$0x90] =	vst v25;
	v19 =	vld.idx.msk [tilespmem:v19+s16+$0x0], $0xffff  }
0x32d: {  	[tilespmem:s24+$0x1A0] =	vst v17;
	v17 =	vadd.s32 s28, v5;
	v25 =	vld.idx.msk [tilespmem:v28+s16+$0x0], $0xffff  }
0x32e: {  	v15 =	vld.idx.msk [tilespmem:v15+s16+$0x0], $0xffff;
	[tilespmem:s0+$0xFFFFFE40] =	vst v23;
	v23 =	vadd.s32 s30, v5  }
0x32f: {  	v22 =	vld.idx.msk [tilespmem:v22+s16+$0x0], $0xffff;
	[tilespmem:s0+$0x150] =	vst v18;
	v18 =	vadd.s32 s22, v6  }
0x330: {  	v27 =	vadd.s32 s20, v3;
	[tilespmem:s0+$0xFFFFFF50] =	vst v21;
	v21 =	vld.idx.msk [tilespmem:v26+s16+$0x0], $0xffff  }
0x331: {  	[tilespmem:s24+$0xFFFFFE10] =	vst v20;
	v20 =	vld.idx.msk [tilespmem:v36+s16+$0x0], $0xffff  }
0x332: {  	v17 =	vld.idx.msk [tilespmem:v17+s16+$0x0], $0xffff;
	[tilespmem:s0+$0xFFFFFEC0] =	vst v19  }
0x333: {  	[tilespmem:s24+$0x10] =	vst v13;
	v19 =	vld.idx.msk [tilespmem:v23+s16+$0x0], $0xffff;
	v23 =	vadd.s32 s29, v6  }
0x334: {  	[tilespmem:s24+$0xFFFFFFA0] =	vst v15;
	v15 =	vadd.s32 s18, v6;
	v18 =	vld.idx.msk [tilespmem:v18+s16+$0x0], $0xffff  }
0x335: {  	v26 =	vld.idx.msk [tilespmem:v27+s16+$0x0], $0xffff;
	[tilespmem:s24+$0x110] =	vst v22;
	v22 =	vadd.s32 s1, v6  }
0x336: {  	v27 =	vadd.s32 s30, v6;
	v16 =	vld.idx.msk [tilespmem:v16+s16+$0x0], $0xffff;
	[tilespmem:s0+$0xD0] =	vst v21  }
0x337: {  	v21 =	vadd.s32 s31, v6;
	v13 =	vld.idx.msk [tilespmem:v33+s16+$0x0], $0xffff;
	[tilespmem:s0+$0x50] =	vst v25  }
0x338: {  	[tilespmem:s0+$0xFFFFFE50] =	vst v17;
	v17 =	vadd.s32 s28, v6;
	v23 =	vld.idx.msk [tilespmem:v23+s16+$0x0], $0xffff  }
0x339: {  	v25 =	vadd.s32 s11, v3;
	[tilespmem:s0+$0xFFFFFED0] =	vst v19;
	v19 =	vld.idx.msk [tilespmem:v15+s16+$0x0], $0xffff  }
0x33a: {  	[tilespmem:s24+$0xFFFFFF20] =	vst v20;
	v20 =	vld.idx.msk [tilespmem:v22+s16+$0x0], $0xffff;
	v22 =	vadd.s32 s22, v7;
	s22 =	smov.u32 s19  }
0x33b: {  	[tilespmem:s24+$0xFFFFFFB0] =	vst v26;
	v26 =	vld.idx.msk [tilespmem:v27+s16+$0x0], $0xffff;
	v27 =	vadd.s32 s18, v7;
	s18 =	smov.u32 s5  }
0x33c: {  	v21 =	vld.idx.msk [tilespmem:v21+s16+$0x0], $0xffff;
	[tilespmem:s0+$0x160] =	vst v18;
	v18 =	vadd.s32 s29, v7;
	s29 =	smov.u32 s14  }
0x33d: {  	[tilespmem:s24+$0x1B0] =	vst v16;
	v16 =	vld.idx.msk [tilespmem:v17+s16+$0x0], $0xffff;
	v17 =	vadd.s32 s30, v7;
	s30 =	smov.u32 s12  }
0x33e: {  	v15 =	vld.idx.msk [tilespmem:v25+s16+$0x0], $0xffff;
	v25 =	vadd.s32 s31, v7;
	[tilespmem:s0+$0x1E0] =	vst v23;
	s31 =	smov.u32 s17  }
0x33f: {  	v23 =	vadd.s32 s1, v7;
	s1 =	smov.u32 s11;
	[tilespmem:s0+$0xE0] =	vst v19;
	v22 =	vld.idx.msk [tilespmem:v22+s16+$0x0], $0xffff  }
0x340: {  	v28 =	vadd.s32 s28, v7;
	s28 =	smov.u32 s9;
	[tilespmem:s0+$0xFFFFFFF0] =	vst v24;
	v24 =	vld.idx.msk [tilespmem:v27+s16+$0x0], $0xffff  }
0x341: {  	v27 =	vadd.s32 s20, v4;
	[tilespmem:s0+$0xFFFFFEE0] =	vst v26;
	v26 =	vld.idx.msk [tilespmem:v18+s16+$0x0], $0xffff  }
0x342: {  	v29 =	vld.idx.msk [tilespmem:v17+s16+$0x0], $0xffff;
	[tilespmem:s0+$0x60] =	vst v21  }
0x343: {  	[tilespmem:s0+$0xFFFFFF60] =	vst v20;
	v20 =	vld.idx.msk [tilespmem:v25+s16+$0x0], $0xffff  }
.Ltmp3:
0x344: {  	v21 =	vadd.s32 s29, v4;
	[tilespmem:s0+$0xFFFFFE60] =	vst v16;
	v19 =	vld.idx.msk [tilespmem:v23+s16+$0x0], $0xffff;
	(pc) =	sbr.rel @p0 .LBB2_8-.Ltmp3, $4  }
0x345: {  	v18 =	vld.idx.msk [tilespmem:v28+s16+$0x0], $0xffff;
	[tilespmem:s0+$0x170] =	vst v22  }
0x346: {  	v17 =	vld.idx.msk [tilespmem:v27+s16+$0x0], $0xffff;
	[tilespmem:s0+$0xF0] =	vst v24  }
0x347: {  	v16 =	vld.idx.msk [tilespmem:v14+s16+$0x0], $0xffff;
	[tilespmem:s0+$0x1F0] =	vst v26  }
0x348: {  	s23 =	smov.u32 s8;
	v14 =	vadd.s32 s20, v5;
	v12 =	vld.idx.msk [tilespmem:v12+s16+$0x0], $0xffff;
	[tilespmem:s0+$0xFFFFFEF0] =	vst v29  }
0x349: {  	_ = 	snop  }
0x34a: {  	[tilespmem:s0+$0x70] =	vst v20  }
0x34b: {  	[tilespmem:s0+$0xFFFFFF70] =	vst v19  }
0x34c: {  	[tilespmem:s6+$0x120] =	vst v13  }
0x34d: {  	v62 =	vld.idx.msk [tilespmem:v21+s16+$0x0], $0xffff;
	[tilespmem:s6+$0xFFFFFF30] =	vst v15  }
0x34e: {  	v63 =	vadd.s32 s1, v4;
	v10 =	vld.idx.msk [tilespmem:v10+s16+$0x0], $0xffff;
	[tilespmem:s0+$0xFFFFFE70] =	vst v18  }
0x34f: {  	v9 =	vld.idx.msk [tilespmem:v9+s16+$0x0], $0xffff;
	v27 =	vadd.s32 s28, v3;
	[tilespmem:s6+$0xFFFFFFC0] =	vst v17  }
0x350: {  	v23 =	vadd.s32 s29, v5;
	v8 =	vld.idx.msk [tilespmem:v8+s16+$0x0], $0xffff;
	[tilespmem:s6+$0x20] =	vst v16  }
0x351: {  	v24 =	vadd.s32 s18, v3;
	v14 =	vld.idx.msk [tilespmem:v14+s16+$0x0], $0xffff;
	[tilespmem:s6+$0xFFFFFE20] =	vst v12  }
0x352: {  	v25 =	vadd.s32 s30, v3;
	v11 =	vld.idx.msk [tilespmem:v11+s16+$0x0], $0xffff;
	[tilespmem:s6+$0x1C0] =	vst v62  }
0x353: {  	v29 =	vadd.s32 s22, v4;
	v26 =	vld.idx.msk [tilespmem:v63+s16+$0x0], $0xffff;
	[tilespmem:s6+$0xA0] =	vst v10  }
0x354: {  	v32 =	vadd.s32 s20, v6;
	[tilespmem:s6+$0xFFFFFEA0] =	vst v9;
	v12 =	vld.idx.msk [tilespmem:v27+s16+$0x0], $0xffff  }
0x355: {  	v30 =	vadd.s32 s31, v4;
	v28 =	vld.idx.msk [tilespmem:v23+s16+$0x0], $0xffff;
	[tilespmem:s6+$0x130] =	vst v8  }
0x356: {  	v33 =	vadd.s32 s28, v4;
	v13 =	vld.idx.msk [tilespmem:v24+s16+$0x0], $0xffff;
	[tilespmem:s6+$0xFFFFFFD0] =	vst v14  }
0x357: {  	v31 =	vadd.s32 s18, v4;
	v15 =	vld.idx.msk [tilespmem:v25+s16+$0x0], $0xffff;
	[tilespmem:s6+$0x30] =	vst v11  }
0x358: {  	v35 =	vadd.s32 s1, v5;
	v16 =	vld.idx.msk [tilespmem:v29+s16+$0x0], $0xffff;
	[tilespmem:s6+$0xFFFFFF40] =	vst v26  }
0x359: {  	v8 =	vadd.s32 s30, v4;
	v36 =	vld.idx.msk [tilespmem:v32+s16+$0x0], $0xffff;
	[tilespmem:s6+$0xFFFFFE30] =	vst v12  }
0x35a: {  	v44 =	vadd.s32 s29, v6;
	v9 =	vld.idx.msk [tilespmem:v30+s16+$0x0], $0xffff;
	[tilespmem:s6+$0x1D0] =	vst v28  }
0x35b: {  	v34 =	vadd.s32 s22, v5;
	[tilespmem:s6+$0xB0] =	vst v13;
	v10 =	vld.idx.msk [tilespmem:v33+s16+$0x0], $0xffff  }
0x35c: {  	v38 =	vadd.s32 s31, v5;
	[tilespmem:s6+$0xFFFFFEB0] =	vst v15;
	v11 =	vld.idx.msk [tilespmem:v31+s16+$0x0], $0xffff  }
0x35d: {  	v37 =	vadd.s32 s18, v5;
	v14 =	vld.idx.msk [tilespmem:v35+s16+$0x0], $0xffff;
	[tilespmem:s6+$0x140] =	vst v16  }
0x35e: {  	v41 =	vadd.s32 s28, v5;
	v8 =	vld.idx.msk [tilespmem:v8+s16+$0x0], $0xffff;
	[tilespmem:s6+$0xFFFFFFE0] =	vst v36  }
0x35f: {  	v45 =	vadd.s32 s20, v7;
	v51 =	vld.idx.msk [tilespmem:v44+s16+$0x0], $0xffff;
	[tilespmem:s6+$0x40] =	vst v9  }
0x360: {  	v39 =	vadd.s32 s30, v5;
	v40 =	vld.idx.msk [tilespmem:v34+s16+$0x0], $0xffff;
	[tilespmem:s6+$0xFFFFFE40] =	vst v10  }
0x361: {  	v42 =	vadd.s32 s22, v6;
	v12 =	vld.idx.msk [tilespmem:v38+s16+$0x0], $0xffff;
	[tilespmem:s6+$0xC0] =	vst v11  }
0x362: {  	v49 =	vadd.s32 s31, v6;
	[tilespmem:s6+$0xFFFFFF50] =	vst v14;
	v43 =	vld.idx.msk [tilespmem:v37+s16+$0x0], $0xffff  }
0x363: {  	[tilespmem:s6+$0xFFFFFEC0] =	vst v8;
	v8 =	vadd.s32 s18, v6;
	v47 =	vld.idx.msk [tilespmem:v41+s16+$0x0], $0xffff  }
0x364: {  	v52 =	vadd.s32 s28, v6;
	v53 =	vld.idx.msk [tilespmem:v45+s16+$0x0], $0xffff;
	[tilespmem:s6+$0x1E0] =	vst v51  }
0x365: {  	v50 =	vadd.s32 s1, v6;
	v46 =	vld.idx.msk [tilespmem:v39+s16+$0x0], $0xffff;
	[tilespmem:s6+$0x150] =	vst v40  }
0x366: {  	v48 =	vadd.s32 s30, v6;
	v11 =	vld.idx.msk [tilespmem:v42+s16+$0x0], $0xffff;
	[tilespmem:s6+$0x50] =	vst v12  }
0x367: {  	v57 =	vadd.s32 s29, v7;
	v14 =	vld.idx.msk [tilespmem:v49+s16+$0x0], $0xffff;
	[tilespmem:s6+$0xD0] =	vst v43  }
0x368: {  	v54 =	vadd.s32 s22, v7;
	[tilespmem:s6+$0xFFFFFE50] =	vst v47;
	v8 =	vld.idx.msk [tilespmem:v8+s16+$0x0], $0xffff  }
0x369: {  	v59 =	vadd.s32 s31, v7;
	[tilespmem:s6+$0xFFFFFFF0] =	vst v53;
	v12 =	vld.idx.msk [tilespmem:v52+s16+$0x0], $0xffff  }
0x36a: {  	v60 =	vadd.s32 s28, v7;
	v16 =	vld.idx.msk [tilespmem:v50+s16+$0x0], $0xffff;
	[tilespmem:s6+$0xFFFFFED0] =	vst v46  }
0x36b: {  	v56 =	vadd.s32 s18, v7;
	v55 =	vld.idx.msk [tilespmem:v48+s16+$0x0], $0xffff;
	[tilespmem:s6+$0x160] =	vst v11  }
0x36c: {  	v58 =	vadd.s32 s30, v7;
	v61 =	vld.idx.msk [tilespmem:v57+s16+$0x0], $0xffff;
	[tilespmem:s6+$0x60] =	vst v14  }
0x36d: {  	v10 =	vld.idx.msk [tilespmem:v54+s16+$0x0], $0xffff;
	[tilespmem:s6+$0xE0] =	vst v8;
	v8 =	vadd.s32 s1, v7  }
0x36e: {  	v14 =	vld.idx.msk [tilespmem:v59+s16+$0x0], $0xffff;
	[tilespmem:s6+$0xFFFFFE60] =	vst v12  }
0x36f: {  	[tilespmem:s6+$0xFFFFFF60] =	vst v16;
	v63 =	vld.idx.msk [tilespmem:v60+s16+$0x0], $0xffff  }
0x370: {  	[tilespmem:s6+$0xFFFFFEE0] =	vst v55;
	v13 =	vld.idx.msk [tilespmem:v56+s16+$0x0], $0xffff  }
0x371: {  	[tilespmem:s6+$0x1F0] =	vst v61;
	v62 =	vld.idx.msk [tilespmem:v58+s16+$0x0], $0xffff  }
0x372: {  	[tilespmem:s6+$0x170] =	vst v10;
	v8 =	vld.idx.msk [tilespmem:v8+s16+$0x0], $0xffff  }
0x373: {  	[tilespmem:s6+$0x70] =	vst v14  }
.Ltmp4:
0x374: {  	[tilespmem:s6+$0xFFFFFE70] =	vst v63;
	(pc) =	sbr.rel @p1 .LBB2_11-.Ltmp4, $4  }
0x375: {  	[tilespmem:s6+$0xF0] =	vst v13  }
0x376: {  	s30 =	sshll.u32 s15, $0x4;
	[tilespmem:s6+$0xFFFFFEF0] =	vst v62  }
0x377: {  	s31 =	simm.s32 $0x11880;
	s0 =	sadd.s32 s3, s30;
	[tilespmem:s6+$0xFFFFFF70] =	vst v8  }
0x378: {  	[hbm4b:s0+s4] =	stream.linear.scatter [tilespmem:s31], [sflag:$0x8], $0x2800, $0x38;
	[tilespmem:$0x14080] =	vst v63  }
.Ltmp5:
0x379: {  	s0 =	rddreg [dreg:$0xb];
	(pc) =	sbr.rel .LBB2_1-.Ltmp5, $4  }
0x37a: {  	s0 =	sadd.s32 s26, s0  }
0x37b: {  	s0 =	sshll.u32 s0, $0x4  }
0x37c: {  	s25 =	sadd.s32 $0x1, s25;
	s0 =	sadd.s32 s2, s0  }
0x37d: {  	[tilespmem:s16], [sflag:$0x4] =	stream.linear.gather [hbm4b:s0+s4], $0x2800, $0x38;
	[tilespmem:$0x14080] =	vst v63  }
.LBB2_11:
0x37e: {  	s0 =	simm.s32 $0x5  }
0x37f: {  	_ =	swait.ge [sflag:s0], $0x2800  }
0x380: {  	[sflag:s0] =	ssyncset.done $0x0  }
0x381: {  	s28 =	simm.s32 $0x6;
	[sflag:s0] =	ssyncadd.s32 $0xFFFFD800  }
0x382: {  	_ =	swait.ge [sflag:s28], $0x2800  }
0x383: {  	[sflag:s28] =	ssyncset.done $0x0  }
0x384: {  	s29 =	simm.s32 $0x7;
	[sflag:s28] =	ssyncadd.s32 $0xFFFFD800  }
0x385: {  	_ =	swait.ge [sflag:s29], $0x2800  }
0x386: {  	[sflag:s29] =	ssyncset.done $0x0  }
0x387: {  	s30 =	simm.s32 $0x8;
	[sflag:s29] =	ssyncadd.s32 $0xFFFFD800  }
0x388: {  	_ =	swait.ge [sflag:s30], $0x2800  }
0x389: {  	[sflag:s30] =	ssyncset.done $0x0  }
0x38a: {  	[sflag:s30] =	ssyncadd.s32 $0xFFFFD800  }
0x38b: {  	_ =	sfence.sel $0x180000  }
0x38c: {  	[bflag:$0x0] =	sbarrier.arrive $0xFFFF  }
0x38d: {  	_ =	strace $0x90000047  }
0x38e: {  	s31 =	stileid.u32;
	[bflag:$0x2] =	sbarrier.arrive $0xFFFF  }
0x38f: {  	p0 =	sne.s32 s31, $0x0;
	s0 =	rddreg [dreg:$0x3]  }
0x390: {  	s0 =	sadd.s32 @!p0 $0x100000, s0  }
0x391: {  	[sflag:s0] =	ssyncadd.tile.s32 @!p0 $0x1;
	_ =	shalt  }
.Lfunc_end2:
_tile_overlayer_lowered:
.L_overlay_start_2:
0x392: {  	(tag) =	ssettag $0x2  }
0x393: {  	s0 =	rddreg [dreg:$0x0];
	s2 =	stileid.u32  }
0x394: {  	s1 =	rddreg [dreg:$0x1];
	p0 =	sne.s32 s2, $0x0  }
0x395: {  	s3 =	rddreg [dreg:$0x2];
	[bflag:$0x3] =	sbarrier.arrive $0xFFFF;
	s2 =	simm.s32 @!p0 $0x1C09  }
0x396: {  	[timem:s3], [sflag:s2] =	dma.local @!p0 [hbm:s0], s1  }
0x397: {  	s0 =	simm.s32 @!p0 $0x9  }
0x398: {  	_ =	swait.ge @!p0 [sflag:s0], s1  }
0x399: {  	s1 =	ssub.s32 @!p0 $0x0, s1;
	[sflag:s0] =	ssyncset.done @!p0 $0x0  }
0x39a: {  	[sflag:s0] =	ssyncadd.s32 @!p0 s1  }
0x39b: {  	[bflag:$0x3] =	sbarrier.arrive $0xFFFF  }
0x39c: {  	_ =	shalt  }

</sc_bundles>
